<compile_context>
chip_gen: v7x
topology: tpu7x:2x2x1
jax: 0.10.2.dev20260603
libtpu: 0.0.44.dev20260713+nightly
codegen_flags: <defaults>
</compile_context>

<pallas_src>
import functools

import jax
import jax.numpy as jnp
from jax import lax
from jax.experimental import pallas as pl
from jax.experimental.pallas import tpu as pltpu
from jax.experimental.pallas import tpu_sc as plsc

N_NODES = 10000
D_FEAT = 128
N_EDGES = 320000
N_CLASSES = 40

NC = 2
NS = 16
NW = NC * NS

GCH = 128
NCH = 80
SPAN = NCH // 2
EPW = NCH * GCH
REAL_PER_WORKER = N_EDGES // NW
PAD_PER_WORKER = EPW - REAL_PER_WORKER
ZPAD = 128
ROWS_PER_SUBCORE = 624
TAIL_ROWS = N_NODES - NS * ROWS_PER_SUBCORE
TAIL_BASE = NS * ROWS_PER_SUBCORE


def _sc_partial_agg(xz, src, dst):
  mesh = plsc.VectorSubcoreMesh(core_axis_name="c", subcore_axis_name="s")

  @functools.partial(
      pl.kernel,
      out_type=jax.ShapeDtypeStruct((NC, N_NODES, D_FEAT), jnp.float32),
      mesh=mesh,
      scratch_types=[
          pltpu.VMEM((SPAN, GCH), jnp.int32),
          pltpu.VMEM((NCH, GCH), jnp.int32),
          pltpu.VMEM((GCH, D_FEAT), jnp.float32),
          pltpu.VMEM((GCH, D_FEAT), jnp.float32),
          pltpu.VMEM_SHARED((N_NODES, D_FEAT), jnp.float32),
          pltpu.SemaphoreType.DMA,
          pltpu.SemaphoreType.DMA,
      ],
  )
  def k(x_hbm, src_hbm, dst_hbm, out_hbm, sidx, didx, rows_a,
        rows_b, accum, sem_a, sem_b):
    cid = lax.axis_index("c")
    sid = lax.axis_index("s")
    wid = sid * NC + cid
    rbase = sid * ROWS_PER_SUBCORE

    pltpu.async_copy(src_hbm.at[wid, pl.ds(0, SPAN)], sidx, sem_a)
    pltpu.async_copy(dst_hbm.at[wid], didx, sem_b)

    z16 = jnp.zeros((16,), jnp.float32)

    def zrow(r):
      for c16 in range(D_FEAT // 16):
        rows_a[r, pl.ds(c16 * 16, 16)] = z16

    pl.loop(0, GCH)(zrow)
    nblk = ROWS_PER_SUBCORE // GCH
    rem = ROWS_PER_SUBCORE % GCH
    for blk in range(nblk):
      pltpu.async_copy(rows_a, accum.at[pl.ds(rbase + blk * GCH, GCH)],
                       sem_b)
    pltpu.async_copy(rows_a.at[pl.ds(0, rem)],
                     accum.at[pl.ds(rbase + ROWS_PER_SUBCORE - rem, rem)],
                     sem_b)

    @pl.when(sid == NS - 1)
    def _():
      pltpu.sync_copy(rows_a.at[pl.ds(0, TAIL_ROWS)],
                      accum.at[pl.ds(TAIL_BASE, TAIL_ROWS)])

    for blk in range(nblk):
      pltpu.make_async_copy(rows_a, accum.at[pl.ds(rbase + blk * GCH, GCH)],
                            sem_b).wait()
    pltpu.make_async_copy(rows_a.at[pl.ds(0, rem)],
                          accum.at[pl.ds(rbase + ROWS_PER_SUBCORE - rem, rem)],
                          sem_b).wait()
    pltpu.make_async_copy(src_hbm.at[wid, pl.ds(0, SPAN)], sidx, sem_a).wait()
    pltpu.make_async_copy(dst_hbm.at[wid], didx, sem_b).wait()
    plsc.subcore_barrier()

    def gather(c, base, rows, sem):
      pltpu.async_copy(x_hbm.at[sidx.at[c - base]], rows, sem)

    def drain(c, base, rows, sem):
      pltpu.make_async_copy(x_hbm.at[sidx.at[c - base]], rows, sem).wait()

    def scatter(c, rows):
      pltpu.sync_copy(rows, accum.at[didx.at[c]], add=True)

    def span(base):
      gather(base, base, rows_a, sem_a)

      def body(j):
        c = base + 2 * j
        gather(c + 1, base, rows_b, sem_b)
        drain(c, base, rows_a, sem_a)
        scatter(c, rows_a)
        gather(c + 2, base, rows_a, sem_a)
        drain(c + 1, base, rows_b, sem_b)
        scatter(c + 1, rows_b)

      pl.loop(0, SPAN // 2 - 1)(body)
      last = base + SPAN - 1
      gather(last, base, rows_b, sem_b)
      drain(last - 1, base, rows_a, sem_a)
      scatter(last - 1, rows_a)
      drain(last, base, rows_b, sem_b)
      scatter(last, rows_b)

    span(0)
    pltpu.sync_copy(src_hbm.at[wid, pl.ds(SPAN, SPAN)], sidx)
    span(SPAN)
    plsc.subcore_barrier()

    pltpu.sync_copy(accum.at[pl.ds(rbase, ROWS_PER_SUBCORE)],
                    out_hbm.at[cid, pl.ds(rbase, ROWS_PER_SUBCORE)])

    @pl.when(sid == NS - 1)
    def _():
      pltpu.sync_copy(accum.at[pl.ds(TAIL_BASE, TAIL_ROWS)],
                      out_hbm.at[cid, pl.ds(TAIL_BASE, TAIL_ROWS)])

  return k(xz, src, dst)


def _tc_mlp_body(x_ref, a0_ref, a1_ref, eps_ref, w1t_ref, b1_ref, gamma_ref,
                 beta_ref, w2t_ref, b2_ref, out_ref):
  h = (1.0 + eps_ref[0, 0]) * x_ref[...] + a0_ref[...] + a1_ref[...]
  h = jnp.dot(h, w1t_ref[...], preferred_element_type=jnp.float32)
  h = jnp.maximum(h + b1_ref[...], 0.0)
  mean = jnp.mean(h, axis=0, keepdims=True)
  var = jnp.mean(jnp.square(h - mean), axis=0, keepdims=True)
  h = (h - mean) * lax.rsqrt(var + 1e-5) * gamma_ref[...] + beta_ref[...]
  o = jnp.dot(h, w2t_ref[...], preferred_element_type=jnp.float32)
  o = o + b2_ref[...]
  m = jnp.max(o, axis=-1, keepdims=True)
  lse = m + jnp.log(jnp.sum(jnp.exp(o - m), axis=-1, keepdims=True))
  out_ref[...] = o - lse


def _tc_mlp(x, a0, a1, eps, w1t, b1, gamma, beta, w2t, b2):
  return pl.pallas_call(
      _tc_mlp_body,
      out_shape=jax.ShapeDtypeStruct((N_NODES, N_CLASSES), jnp.float32),
      in_specs=[
          pl.BlockSpec(memory_space=pltpu.VMEM),
          pl.BlockSpec(memory_space=pltpu.VMEM),
          pl.BlockSpec(memory_space=pltpu.VMEM),
          pl.BlockSpec(memory_space=pltpu.SMEM),
          pl.BlockSpec(memory_space=pltpu.VMEM),
          pl.BlockSpec(memory_space=pltpu.VMEM),
          pl.BlockSpec(memory_space=pltpu.VMEM),
          pl.BlockSpec(memory_space=pltpu.VMEM),
          pl.BlockSpec(memory_space=pltpu.VMEM),
          pl.BlockSpec(memory_space=pltpu.VMEM),
      ],
      out_specs=pl.BlockSpec(memory_space=pltpu.VMEM),
  )(x, a0, a1, eps, w1t, b1, gamma, beta, w2t, b2)


def kernel(x, edge_index, eps, W1, b1, gamma, beta, W2, b2):
  pad_iota = jnp.arange(NW * PAD_PER_WORKER, dtype=jnp.int32).reshape(
      NW, PAD_PER_WORKER)
  src = jnp.concatenate([
      edge_index[0].astype(jnp.int32).reshape(NW, REAL_PER_WORKER),
      N_NODES + pad_iota % ZPAD,
  ], axis=1).reshape(NW, NCH, GCH)
  dst = jnp.concatenate([
      edge_index[1].astype(jnp.int32).reshape(NW, REAL_PER_WORKER),
      pad_iota % N_NODES,
  ], axis=1).reshape(NW, NCH, GCH)
  xz = jnp.concatenate([x, jnp.zeros((ZPAD, D_FEAT), jnp.float32)], axis=0)
  agg = _sc_partial_agg(xz, src, dst)
  eps2d = jnp.reshape(eps.astype(jnp.float32), (1, 1))
  out = _tc_mlp(x, agg[0], agg[1], eps2d, W1.T, jnp.reshape(b1, (1, -1)),
                jnp.reshape(gamma, (1, -1)), jnp.reshape(beta, (1, -1)),
                W2.T, jnp.reshape(b2, (1, -1)))
  return out

# --- scband reference (transcript-rebuilt; emitter-appended) ---
"""Pipeline reference for scband-gin-v2-23055384445758 (READ-ONLY COPY).

The authoritative reference and input builder live on the scoring server;
editing this copy changes nothing except your own understanding.
"""

import jax, jax.numpy as jnp
import numpy as np

N_NODES = 10000
N_EDGES = 320000
D_FEAT = 128
HIDDEN = 128
N_CLASSES = 40


def setup_inputs(seed: int = 0) -> dict:
    key = jax.random.key(seed)
    ks = jax.random.split(key, 8)
    x = jax.random.normal(ks[0], (N_NODES, D_FEAT), dtype=jnp.float32)
    edge_index = jax.random.randint(ks[1], (2, N_EDGES), 0, N_NODES, dtype=jnp.int64)
    # GINConv learnable epsilon (train_eps=True, init 0.0)
    eps = jnp.zeros((), dtype=jnp.float32)
    # MLP([128, 128, 40]): Linear(128->128) -> ReLU (act_first) -> BatchNorm -> Linear(128->40)
    W1 = jax.random.normal(ks[2], (HIDDEN, D_FEAT), dtype=jnp.float32) * (1.0 / np.sqrt(D_FEAT))
    b1 = jnp.zeros((HIDDEN,), dtype=jnp.float32)
    gamma = jnp.ones((HIDDEN,), dtype=jnp.float32)
    beta = jnp.zeros((HIDDEN,), dtype=jnp.float32)
    W2 = jax.random.normal(ks[3], (N_CLASSES, HIDDEN), dtype=jnp.float32) * (1.0 / np.sqrt(HIDDEN))
    b2 = jnp.zeros((N_CLASSES,), dtype=jnp.float32)
    return {"x": x, "edge_index": edge_index, "eps": eps, "W1": W1, "b1": b1,
            "gamma": gamma, "beta": beta, "W2": W2, "b2": b2}


def reference(x, edge_index, eps, W1, b1, gamma, beta, W2, b2):
    src = edge_index[0]
    dst = edge_index[1]
    # GIN aggregation: sum of neighbor features scattered to destination nodes
    agg = jax.ops.segment_sum(jnp.take(x, src, axis=0), dst, num_segments=x.shape[0])
    h = (1.0 + eps) * x + agg
    # MLP: lin1 -> relu (act_first=True) -> batch_norm -> lin2 (plain last layer)
    h = h @ W1.T + b1
    h = jax.nn.relu(h)
    mean = jnp.mean(h, axis=0)
    var = jnp.var(h, axis=0)
    h = (h - mean) / jnp.sqrt(var + 1e-5) * gamma + beta
    h = h @ W2.T + b2
    return jax.nn.log_softmax(h, axis=-1)

if __name__ == "__main__":
    import jax
    _d = setup_inputs()
    print(jax.jit(kernel)(*tuple(_d.values())))

</pallas_src>

<mosaic_0001>
#map = affine_map<(d0, d1) -> (0, 0)>
#map1 = affine_map<(d0, d1) -> (0, 0, 0)>
module attributes {stable_mosaic.version = 14 : i64} {
  func.func @k(%arg0: i32, %arg1: i32, %arg2: memref<10128x128xf32, #tpu.memory_space<hbm>>, %arg3: memref<32x80x128xi32, #tpu.memory_space<hbm>>, %arg4: memref<32x80x128xi32, #tpu.memory_space<hbm>>, %arg5: memref<2x10000x128xf32, #tpu.memory_space<hbm>>, %arg6: memref<40x128xi32, #tpu.memory_space<vmem>>, %arg7: memref<80x128xi32, #tpu.memory_space<vmem>>, %arg8: memref<128x128xf32, #tpu.memory_space<vmem>>, %arg9: memref<128x128xf32, #tpu.memory_space<vmem>>, %arg10: memref<10000x128xf32, #tpu.memory_space<vmem_shared>>, %arg11: memref<!tpu.dma_semaphore, #tpu.memory_space<semaphore_mem>>, %arg12: memref<!tpu.dma_semaphore, #tpu.memory_space<semaphore_mem>>) attributes {dimension_semantics = [#tpu.dimension_semantics<core_parallel>, #tpu.dimension_semantics<subcore_parallel>], iteration_bounds = array<i64: 2, 16>, scalar_prefetch = 0 : i64, scratch_operands = 7 : i64, tpu.core_type = #tpu.core_type<sc_vector_subcore>, window_params = [{transform_indices = #map}, {transform_indices = #map1}, {transform_indices = #map1}, {transform_indices = #map1}]} {
    %mul3A = arith.constant 2 : i32
    %mul3A_0 = arith.muli %arg1, %mul3A : i32
    %add3A = arith.addi %mul3A_0, %arg0 : i32
    %mul3A_1 = arith.constant 624 : i32
    %mul3A_2 = arith.muli %arg1, %mul3A_1 : i32
    %dma_start3A = arith.constant 0 : i32
    %dma_start3A_3 = arith.constant 0 : i32
    %dma_start3A_4 = tpu.memref_slice %arg3[%add3A, %dma_start3A, %dma_start3A_3] : memref<32x80x128xi32, #tpu.memory_space<hbm>> -> memref<1x40x128xi32, #tpu.memory_space<hbm>>
    %dma_start3A_5 = tpu.memref_squeeze %dma_start3A_4 : memref<1x40x128xi32, #tpu.memory_space<hbm>> -> memref<40x128xi32, #tpu.memory_space<hbm>>
    %dma_start3A_6 = arith.constant 0 : i32
    %dma_start3A_7 = arith.constant 0 : i32
    %dma_start3A_8 = tpu.memref_slice %arg3[%add3A, %dma_start3A_6, %dma_start3A_7] : memref<32x80x128xi32, #tpu.memory_space<hbm>> -> memref<1x40x128xi32, #tpu.memory_space<hbm>>
    %dma_start3A_9 = tpu.memref_squeeze %dma_start3A_8 : memref<1x40x128xi32, #tpu.memory_space<hbm>> -> memref<40x128xi32, #tpu.memory_space<hbm>>
    tpu.enqueue_dma source(%dma_start3A_9 : memref<40x128xi32, #tpu.memory_space<hbm>>) target(%arg6 : memref<40x128xi32, #tpu.memory_space<vmem>>) target_semaphore(%arg11 : memref<!tpu.dma_semaphore, #tpu.memory_space<semaphore_mem>>)
    %dma_start3A_10 = arith.constant 0 : i32
    %dma_start3A_11 = arith.constant 0 : i32
    %dma_start3A_12 = tpu.memref_slice %arg4[%add3A, %dma_start3A_10, %dma_start3A_11] : memref<32x80x128xi32, #tpu.memory_space<hbm>> -> memref<1x80x128xi32, #tpu.memory_space<hbm>>
    %dma_start3A_13 = tpu.memref_squeeze %dma_start3A_12 : memref<1x80x128xi32, #tpu.memory_space<hbm>> -> memref<80x128xi32, #tpu.memory_space<hbm>>
    %dma_start3A_14 = arith.constant 0 : i32
    %dma_start3A_15 = arith.constant 0 : i32
    %dma_start3A_16 = tpu.memref_slice %arg4[%add3A, %dma_start3A_14, %dma_start3A_15] : memref<32x80x128xi32, #tpu.memory_space<hbm>> -> memref<1x80x128xi32, #tpu.memory_space<hbm>>
    %dma_start3A_17 = tpu.memref_squeeze %dma_start3A_16 : memref<1x80x128xi32, #tpu.memory_space<hbm>> -> memref<80x128xi32, #tpu.memory_space<hbm>>
    tpu.enqueue_dma source(%dma_start3A_17 : memref<80x128xi32, #tpu.memory_space<hbm>>) target(%arg7 : memref<80x128xi32, #tpu.memory_space<vmem>>) target_semaphore(%arg12 : memref<!tpu.dma_semaphore, #tpu.memory_space<semaphore_mem>>)
    %broadcast_in_dim3A = arith.constant 0.000000e+00 : f32
    %broadcast_in_dim3A_18 = vector.broadcast %broadcast_in_dim3A : f32 to vector<16xf32>
    %scan3A = arith.constant 0 : i32
    %scan3A_19 = arith.constant 128 : i32
    %scan3A_20 = arith.addi %scan3A, %scan3A_19 : i32
    %scan3A_21 = arith.constant 1 : i32
    scf.for %scan3A_190 = %scan3A to %scan3A_20 step %scan3A_21  : i32 {
      %mul3A_191 = arith.constant 1 : i32
      %mul3A_192 = arith.muli %scan3A_190, %mul3A_191 : i32
      %add3A_193 = arith.constant 0 : i32
      %add3A_194 = arith.addi %add3A_193, %mul3A_192 : i32
      %swap3A = arith.index_cast %add3A_194 : i32 to index
      %swap3A_195 = arith.constant 0 : index
      %swap3A_196 = tpu.vector_load %arg8[%swap3A, %swap3A_195] {strides = array<i32>} : memref<128x128xf32, #tpu.memory_space<vmem>>, vector<1x16xf32>,
      %swap3A_197 = vector.shape_cast %swap3A_196 : vector<1x16xf32> to vector<16xf32>
      %swap3A_198 = vector.shape_cast %broadcast_in_dim3A_18 : vector<16xf32> to vector<1x16xf32>
      tpu.vector_store %arg8[%swap3A, %swap3A_195], %swap3A_198 {strides = array<i32>} : memref<128x128xf32, #tpu.memory_space<vmem>>, vector<1x16xf32>,
      %swap3A_199 = arith.index_cast %add3A_194 : i32 to index
      %swap3A_200 = arith.constant 16 : index
      %swap3A_201 = tpu.vector_load %arg8[%swap3A_199, %swap3A_200] {strides = array<i32>} : memref<128x128xf32, #tpu.memory_space<vmem>>, vector<1x16xf32>,
      %swap3A_202 = vector.shape_cast %swap3A_201 : vector<1x16xf32> to vector<16xf32>
      %swap3A_203 = vector.shape_cast %broadcast_in_dim3A_18 : vector<16xf32> to vector<1x16xf32>
      tpu.vector_store %arg8[%swap3A_199, %swap3A_200], %swap3A_203 {strides = array<i32>} : memref<128x128xf32, #tpu.memory_space<vmem>>, vector<1x16xf32>,
      %swap3A_204 = arith.index_cast %add3A_194 : i32 to index
      %swap3A_205 = arith.constant 32 : index
      %swap3A_206 = tpu.vector_load %arg8[%swap3A_204, %swap3A_205] {strides = array<i32>} : memref<128x128xf32, #tpu.memory_space<vmem>>, vector<1x16xf32>,
      %swap3A_207 = vector.shape_cast %swap3A_206 : vector<1x16xf32> to vector<16xf32>
      %swap3A_208 = vector.shape_cast %broadcast_in_dim3A_18 : vector<16xf32> to vector<1x16xf32>
      tpu.vector_store %arg8[%swap3A_204, %swap3A_205], %swap3A_208 {strides = array<i32>} : memref<128x128xf32, #tpu.memory_space<vmem>>, vector<1x16xf32>,
      %swap3A_209 = arith.index_cast %add3A_194 : i32 to index
      %swap3A_210 = arith.constant 48 : index
      %swap3A_211 = tpu.vector_load %arg8[%swap3A_209, %swap3A_210] {strides = array<i32>} : memref<128x128xf32, #tpu.memory_space<vmem>>, vector<1x16xf32>,
      %swap3A_212 = vector.shape_cast %swap3A_211 : vector<1x16xf32> to vector<16xf32>
      %swap3A_213 = vector.shape_cast %broadcast_in_dim3A_18 : vector<16xf32> to vector<1x16xf32>
      tpu.vector_store %arg8[%swap3A_209, %swap3A_210], %swap3A_213 {strides = array<i32>} : memref<128x128xf32, #tpu.memory_space<vmem>>, vector<1x16xf32>,
      %swap3A_214 = arith.index_cast %add3A_194 : i32 to index
      %swap3A_215 = arith.constant 64 : index
      %swap3A_216 = tpu.vector_load %arg8[%swap3A_214, %swap3A_215] {strides = array<i32>} : memref<128x128xf32, #tpu.memory_space<vmem>>, vector<1x16xf32>,
      %swap3A_217 = vector.shape_cast %swap3A_216 : vector<1x16xf32> to vector<16xf32>
      %swap3A_218 = vector.shape_cast %broadcast_in_dim3A_18 : vector<16xf32> to vector<1x16xf32>
      tpu.vector_store %arg8[%swap3A_214, %swap3A_215], %swap3A_218 {strides = array<i32>} : memref<128x128xf32, #tpu.memory_space<vmem>>, vector<1x16xf32>,
      %swap3A_219 = arith.index_cast %add3A_194 : i32 to index
      %swap3A_220 = arith.constant 80 : index
      %swap3A_221 = tpu.vector_load %arg8[%swap3A_219, %swap3A_220] {strides = array<i32>} : memref<128x128xf32, #tpu.memory_space<vmem>>, vector<1x16xf32>,
      %swap3A_222 = vector.shape_cast %swap3A_221 : vector<1x16xf32> to vector<16xf32>
      %swap3A_223 = vector.shape_cast %broadcast_in_dim3A_18 : vector<16xf32> to vector<1x16xf32>
      tpu.vector_store %arg8[%swap3A_219, %swap3A_220], %swap3A_223 {strides = array<i32>} : memref<128x128xf32, #tpu.memory_space<vmem>>, vector<1x16xf32>,
      %swap3A_224 = arith.index_cast %add3A_194 : i32 to index
      %swap3A_225 = arith.constant 96 : index
      %swap3A_226 = tpu.vector_load %arg8[%swap3A_224, %swap3A_225] {strides = array<i32>} : memref<128x128xf32, #tpu.memory_space<vmem>>, vector<1x16xf32>,
      %swap3A_227 = vector.shape_cast %swap3A_226 : vector<1x16xf32> to vector<16xf32>
      %swap3A_228 = vector.shape_cast %broadcast_in_dim3A_18 : vector<16xf32> to vector<1x16xf32>
      tpu.vector_store %arg8[%swap3A_224, %swap3A_225], %swap3A_228 {strides = array<i32>} : memref<128x128xf32, #tpu.memory_space<vmem>>, vector<1x16xf32>,
      %swap3A_229 = arith.index_cast %add3A_194 : i32 to index
      %swap3A_230 = arith.constant 112 : index
      %swap3A_231 = tpu.vector_load %arg8[%swap3A_229, %swap3A_230] {strides = array<i32>} : memref<128x128xf32, #tpu.memory_space<vmem>>, vector<1x16xf32>,
      %swap3A_232 = vector.shape_cast %swap3A_231 : vector<1x16xf32> to vector<16xf32>
      %swap3A_233 = vector.shape_cast %broadcast_in_dim3A_18 : vector<16xf32> to vector<1x16xf32>
      tpu.vector_store %arg8[%swap3A_229, %swap3A_230], %swap3A_233 {strides = array<i32>} : memref<128x128xf32, #tpu.memory_space<vmem>>, vector<1x16xf32>,
    }
    %scan3A_22 = arith.constant 128 : i32
    %add3A_23 = arith.constant 0 : i32
    %add3A_24 = arith.addi %mul3A_2, %add3A_23 : i32
    %dma_start3A_25 = arith.constant 0 : i32
    %dma_start3A_26 = tpu.memref_slice %arg10[%add3A_24, %dma_start3A_25] : memref<10000x128xf32, #tpu.memory_space<vmem_shared>> -> memref<128x128xf32, #tpu.memory_space<vmem_shared>>
    %dma_start3A_27 = arith.constant 0 : i32
    %dma_start3A_28 = tpu.memref_slice %arg10[%add3A_24, %dma_start3A_27] : memref<10000x128xf32, #tpu.memory_space<vmem_shared>> -> memref<128x128xf32, #tpu.memory_space<vmem_shared>>
    tpu.enqueue_dma source(%arg8 : memref<128x128xf32, #tpu.memory_space<vmem>>) target(%dma_start3A_28 : memref<128x128xf32, #tpu.memory_space<vmem_shared>>) target_semaphore(%arg12 : memref<!tpu.dma_semaphore, #tpu.memory_space<semaphore_mem>>)
    %add3A_29 = arith.constant 128 : i32
    %add3A_30 = arith.addi %mul3A_2, %add3A_29 : i32
    %dma_start3A_31 = arith.constant 0 : i32
    %dma_start3A_32 = tpu.memref_slice %arg10[%add3A_30, %dma_start3A_31] : memref<10000x128xf32, #tpu.memory_space<vmem_shared>> -> memref<128x128xf32, #tpu.memory_space<vmem_shared>>
    %dma_start3A_33 = arith.constant 0 : i32
    %dma_start3A_34 = tpu.memref_slice %arg10[%add3A_30, %dma_start3A_33] : memref<10000x128xf32, #tpu.memory_space<vmem_shared>> -> memref<128x128xf32, #tpu.memory_space<vmem_shared>>
    tpu.enqueue_dma source(%arg8 : memref<128x128xf32, #tpu.memory_space<vmem>>) target(%dma_start3A_34 : memref<128x128xf32, #tpu.memory_space<vmem_shared>>) target_semaphore(%arg12 : memref<!tpu.dma_semaphore, #tpu.memory_space<semaphore_mem>>)
    %add3A_35 = arith.constant 256 : i32
    %add3A_36 = arith.addi %mul3A_2, %add3A_35 : i32
    %dma_start3A_37 = arith.constant 0 : i32
    %dma_start3A_38 = tpu.memref_slice %arg10[%add3A_36, %dma_start3A_37] : memref<10000x128xf32, #tpu.memory_space<vmem_shared>> -> memref<128x128xf32, #tpu.memory_space<vmem_shared>>
    %dma_start3A_39 = arith.constant 0 : i32
    %dma_start3A_40 = tpu.memref_slice %arg10[%add3A_36, %dma_start3A_39] : memref<10000x128xf32, #tpu.memory_space<vmem_shared>> -> memref<128x128xf32, #tpu.memory_space<vmem_shared>>
    tpu.enqueue_dma source(%arg8 : memref<128x128xf32, #tpu.memory_space<vmem>>) target(%dma_start3A_40 : memref<128x128xf32, #tpu.memory_space<vmem_shared>>) target_semaphore(%arg12 : memref<!tpu.dma_semaphore, #tpu.memory_space<semaphore_mem>>)
    %add3A_41 = arith.constant 384 : i32
    %add3A_42 = arith.addi %mul3A_2, %add3A_41 : i32
    %dma_start3A_43 = arith.constant 0 : i32
    %dma_start3A_44 = tpu.memref_slice %arg10[%add3A_42, %dma_start3A_43] : memref<10000x128xf32, #tpu.memory_space<vmem_shared>> -> memref<128x128xf32, #tpu.memory_space<vmem_shared>>
    %dma_start3A_45 = arith.constant 0 : i32
    %dma_start3A_46 = tpu.memref_slice %arg10[%add3A_42, %dma_start3A_45] : memref<10000x128xf32, #tpu.memory_space<vmem_shared>> -> memref<128x128xf32, #tpu.memory_space<vmem_shared>>
    tpu.enqueue_dma source(%arg8 : memref<128x128xf32, #tpu.memory_space<vmem>>) target(%dma_start3A_46 : memref<128x128xf32, #tpu.memory_space<vmem_shared>>) target_semaphore(%arg12 : memref<!tpu.dma_semaphore, #tpu.memory_space<semaphore_mem>>)
    %add3A_47 = arith.constant 624 : i32
    %add3A_48 = arith.addi %mul3A_2, %add3A_47 : i32
    %sub3A = arith.constant 112 : i32
    %sub3A_49 = arith.subi %add3A_48, %sub3A : i32
    %dma_start3A_50 = arith.constant 0 : i32
    %dma_start3A_51 = arith.constant 0 : i32
    %dma_start3A_52 = tpu.memref_slice %arg8[%dma_start3A_50, %dma_start3A_51] : memref<128x128xf32, #tpu.memory_space<vmem>> -> memref<112x128xf32, #tpu.memory_space<vmem>>
    %dma_start3A_53 = arith.constant 0 : i32
    %dma_start3A_54 = tpu.memref_slice %arg10[%sub3A_49, %dma_start3A_53] : memref<10000x128xf32, #tpu.memory_space<vmem_shared>> -> memref<112x128xf32, #tpu.memory_space<vmem_shared>>
    %dma_start3A_55 = arith.constant 0 : i32
    %dma_start3A_56 = tpu.memref_slice %arg10[%sub3A_49, %dma_start3A_55] : memref<10000x128xf32, #tpu.memory_space<vmem_shared>> -> memref<112x128xf32, #tpu.memory_space<vmem_shared>>
    %dma_start3A_57 = arith.constant 0 : i32
    %dma_start3A_58 = arith.constant 0 : i32
    %dma_start3A_59 = tpu.memref_slice %arg8[%dma_start3A_57, %dma_start3A_58] : memref<128x128xf32, #tpu.memory_space<vmem>> -> memref<112x128xf32, #tpu.memory_space<vmem>>
    tpu.enqueue_dma source(%dma_start3A_59 : memref<112x128xf32, #tpu.memory_space<vmem>>) target(%dma_start3A_56 : memref<112x128xf32, #tpu.memory_space<vmem_shared>>) target_semaphore(%arg12 : memref<!tpu.dma_semaphore, #tpu.memory_space<semaphore_mem>>)
    %eq3A = arith.constant 15 : i32
    %eq3A_60 = arith.cmpi eq, %arg1, %eq3A : i32
    %convert_element_type3A = arith.extui %eq3A_60 : i1 to i32
    %cond3A = arith.constant 0 : i32
    %cond3A_61 = arith.cmpi ne, %convert_element_type3A, %cond3A : i32
    scf.if %cond3A_61 {
      "tpu.region"() ({
        %run_scoped3A_190 = tpu.sem_alloc : memref<!tpu.dma_semaphore, #tpu.memory_space<semaphore_mem>>
        %dma_start3A_191 = arith.constant 0 : i32
        %dma_start3A_192 = arith.constant 0 : i32
        %dma_start3A_193 = tpu.memref_slice %arg8[%dma_start3A_191, %dma_start3A_192] : memref<128x128xf32, #tpu.memory_space<vmem>> -> memref<16x128xf32, #tpu.memory_space<vmem>>
        %dma_start3A_194 = arith.constant 9984 : i32
        %dma_start3A_195 = arith.constant 0 : i32
        %dma_start3A_196 = tpu.memref_slice %arg10[%dma_start3A_194, %dma_start3A_195] : memref<10000x128xf32, #tpu.memory_space<vmem_shared>> -> memref<16x128xf32, #tpu.memory_space<vmem_shared>>
        %dma_start3A_197 = arith.constant 9984 : i32
        %dma_start3A_198 = arith.constant 0 : i32
        %dma_start3A_199 = tpu.memref_slice %arg10[%dma_start3A_197, %dma_start3A_198] : memref<10000x128xf32, #tpu.memory_space<vmem_shared>> -> memref<16x128xf32, #tpu.memory_space<vmem_shared>>
        %dma_start3A_200 = arith.constant 0 : i32
        %dma_start3A_201 = arith.constant 0 : i32
        %dma_start3A_202 = tpu.memref_slice %arg8[%dma_start3A_200, %dma_start3A_201] : memref<128x128xf32, #tpu.memory_space<vmem>> -> memref<16x128xf32, #tpu.memory_space<vmem>>
        tpu.enqueue_dma source(%dma_start3A_202 : memref<16x128xf32, #tpu.memory_space<vmem>>) target(%dma_start3A_199 : memref<16x128xf32, #tpu.memory_space<vmem_shared>>) target_semaphore(%run_scoped3A_190 : memref<!tpu.dma_semaphore, #tpu.memory_space<semaphore_mem>>)
        %dma_wait3A_203 = arith.constant 0 : i32
        %dma_wait3A_204 = arith.constant 0 : i32
        %dma_wait3A_205 = tpu.memref_slice %arg8[%dma_wait3A_203, %dma_wait3A_204] : memref<128x128xf32, #tpu.memory_space<vmem>> -> memref<16x128xf32, #tpu.memory_space<vmem>>
        %dma_wait3A_206 = arith.constant 9984 : i32
        %dma_wait3A_207 = arith.constant 0 : i32
        %dma_wait3A_208 = tpu.memref_slice %arg10[%dma_wait3A_206, %dma_wait3A_207] : memref<10000x128xf32, #tpu.memory_space<vmem_shared>> -> memref<16x128xf32, #tpu.memory_space<vmem_shared>>
        %dma_wait3A_209 = arith.constant 9984 : i32
        %dma_wait3A_210 = arith.constant 0 : i32
        %dma_wait3A_211 = tpu.memref_slice %arg10[%dma_wait3A_209, %dma_wait3A_210] : memref<10000x128xf32, #tpu.memory_space<vmem_shared>> -> memref<16x128xf32, #tpu.memory_space<vmem_shared>>
        %dma_wait3A_212 = arith.constant 0 : i32
        %dma_wait3A_213 = arith.constant 0 : i32
        %dma_wait3A_214 = tpu.memref_slice %arg8[%dma_wait3A_212, %dma_wait3A_213] : memref<128x128xf32, #tpu.memory_space<vmem>> -> memref<16x128xf32, #tpu.memory_space<vmem>>
        tpu.wait_dma2 semaphore(%run_scoped3A_190 : memref<!tpu.dma_semaphore, #tpu.memory_space<semaphore_mem>>) src(%dma_wait3A_214 : memref<16x128xf32, #tpu.memory_space<vmem>>) dst(%dma_wait3A_211 : memref<16x128xf32, #tpu.memory_space<vmem_shared>>)
        tpu.yield
      }) : () -> ()
    } else {
    }
    %add3A_62 = arith.constant 0 : i32
    %add3A_63 = arith.addi %mul3A_2, %add3A_62 : i32
    %dma_wait3A = arith.constant 0 : i32
    %dma_wait3A_64 = tpu.memref_slice %arg10[%add3A_63, %dma_wait3A] : memref<10000x128xf32, #tpu.memory_space<vmem_shared>> -> memref<128x128xf32, #tpu.memory_space<vmem_shared>>
    %dma_wait3A_65 = arith.constant 0 : i32
    %dma_wait3A_66 = tpu.memref_slice %arg10[%add3A_63, %dma_wait3A_65] : memref<10000x128xf32, #tpu.memory_space<vmem_shared>> -> memref<128x128xf32, #tpu.memory_space<vmem_shared>>
    tpu.wait_dma2 semaphore(%arg12 : memref<!tpu.dma_semaphore, #tpu.memory_space<semaphore_mem>>) src(%arg8 : memref<128x128xf32, #tpu.memory_space<vmem>>) dst(%dma_wait3A_66 : memref<128x128xf32, #tpu.memory_space<vmem_shared>>)
    %add3A_67 = arith.constant 128 : i32
    %add3A_68 = arith.addi %mul3A_2, %add3A_67 : i32
    %dma_wait3A_69 = arith.constant 0 : i32
    %dma_wait3A_70 = tpu.memref_slice %arg10[%add3A_68, %dma_wait3A_69] : memref<10000x128xf32, #tpu.memory_space<vmem_shared>> -> memref<128x128xf32, #tpu.memory_space<vmem_shared>>
    %dma_wait3A_71 = arith.constant 0 : i32
    %dma_wait3A_72 = tpu.memref_slice %arg10[%add3A_68, %dma_wait3A_71] : memref<10000x128xf32, #tpu.memory_space<vmem_shared>> -> memref<128x128xf32, #tpu.memory_space<vmem_shared>>
    tpu.wait_dma2 semaphore(%arg12 : memref<!tpu.dma_semaphore, #tpu.memory_space<semaphore_mem>>) src(%arg8 : memref<128x128xf32, #tpu.memory_space<vmem>>) dst(%dma_wait3A_72 : memref<128x128xf32, #tpu.memory_space<vmem_shared>>)
    %add3A_73 = arith.constant 256 : i32
    %add3A_74 = arith.addi %mul3A_2, %add3A_73 : i32
    %dma_wait3A_75 = arith.constant 0 : i32
    %dma_wait3A_76 = tpu.memref_slice %arg10[%add3A_74, %dma_wait3A_75] : memref<10000x128xf32, #tpu.memory_space<vmem_shared>> -> memref<128x128xf32, #tpu.memory_space<vmem_shared>>
    %dma_wait3A_77 = arith.constant 0 : i32
    %dma_wait3A_78 = tpu.memref_slice %arg10[%add3A_74, %dma_wait3A_77] : memref<10000x128xf32, #tpu.memory_space<vmem_shared>> -> memref<128x128xf32, #tpu.memory_space<vmem_shared>>
    tpu.wait_dma2 semaphore(%arg12 : memref<!tpu.dma_semaphore, #tpu.memory_space<semaphore_mem>>) src(%arg8 : memref<128x128xf32, #tpu.memory_space<vmem>>) dst(%dma_wait3A_78 : memref<128x128xf32, #tpu.memory_space<vmem_shared>>)
    %add3A_79 = arith.constant 384 : i32
    %add3A_80 = arith.addi %mul3A_2, %add3A_79 : i32
    %dma_wait3A_81 = arith.constant 0 : i32
    %dma_wait3A_82 = tpu.memref_slice %arg10[%add3A_80, %dma_wait3A_81] : memref<10000x128xf32, #tpu.memory_space<vmem_shared>> -> memref<128x128xf32, #tpu.memory_space<vmem_shared>>
    %dma_wait3A_83 = arith.constant 0 : i32
    %dma_wait3A_84 = tpu.memref_slice %arg10[%add3A_80, %dma_wait3A_83] : memref<10000x128xf32, #tpu.memory_space<vmem_shared>> -> memref<128x128xf32, #tpu.memory_space<vmem_shared>>
    tpu.wait_dma2 semaphore(%arg12 : memref<!tpu.dma_semaphore, #tpu.memory_space<semaphore_mem>>) src(%arg8 : memref<128x128xf32, #tpu.memory_space<vmem>>) dst(%dma_wait3A_84 : memref<128x128xf32, #tpu.memory_space<vmem_shared>>)
    %add3A_85 = arith.constant 624 : i32
    %add3A_86 = arith.addi %mul3A_2, %add3A_85 : i32
    %sub3A_87 = arith.constant 112 : i32
    %sub3A_88 = arith.subi %add3A_86, %sub3A_87 : i32
    %dma_wait3A_89 = arith.constant 0 : i32
    %dma_wait3A_90 = arith.constant 0 : i32
    %dma_wait3A_91 = tpu.memref_slice %arg8[%dma_wait3A_89, %dma_wait3A_90] : memref<128x128xf32, #tpu.memory_space<vmem>> -> memref<112x128xf32, #tpu.memory_space<vmem>>
    %dma_wait3A_92 = arith.constant 0 : i32
    %dma_wait3A_93 = tpu.memref_slice %arg10[%sub3A_88, %dma_wait3A_92] : memref<10000x128xf32, #tpu.memory_space<vmem_shared>> -> memref<112x128xf32, #tpu.memory_space<vmem_shared>>
    %dma_wait3A_94 = arith.constant 0 : i32
    %dma_wait3A_95 = tpu.memref_slice %arg10[%sub3A_88, %dma_wait3A_94] : memref<10000x128xf32, #tpu.memory_space<vmem_shared>> -> memref<112x128xf32, #tpu.memory_space<vmem_shared>>
    %dma_wait3A_96 = arith.constant 0 : i32
    %dma_wait3A_97 = arith.constant 0 : i32
    %dma_wait3A_98 = tpu.memref_slice %arg8[%dma_wait3A_96, %dma_wait3A_97] : memref<128x128xf32, #tpu.memory_space<vmem>> -> memref<112x128xf32, #tpu.memory_space<vmem>>
    tpu.wait_dma2 semaphore(%arg12 : memref<!tpu.dma_semaphore, #tpu.memory_space<semaphore_mem>>) src(%dma_wait3A_98 : memref<112x128xf32, #tpu.memory_space<vmem>>) dst(%dma_wait3A_95 : memref<112x128xf32, #tpu.memory_space<vmem_shared>>)
    %dma_wait3A_99 = arith.constant 0 : i32
    %dma_wait3A_100 = arith.constant 0 : i32
    %dma_wait3A_101 = tpu.memref_slice %arg3[%add3A, %dma_wait3A_99, %dma_wait3A_100] : memref<32x80x128xi32, #tpu.memory_space<hbm>> -> memref<1x40x128xi32, #tpu.memory_space<hbm>>
    %dma_wait3A_102 = tpu.memref_squeeze %dma_wait3A_101 : memref<1x40x128xi32, #tpu.memory_space<hbm>> -> memref<40x128xi32, #tpu.memory_space<hbm>>
    %dma_wait3A_103 = arith.constant 0 : i32
    %dma_wait3A_104 = arith.constant 0 : i32
    %dma_wait3A_105 = tpu.memref_slice %arg3[%add3A, %dma_wait3A_103, %dma_wait3A_104] : memref<32x80x128xi32, #tpu.memory_space<hbm>> -> memref<1x40x128xi32, #tpu.memory_space<hbm>>
    %dma_wait3A_106 = tpu.memref_squeeze %dma_wait3A_105 : memref<1x40x128xi32, #tpu.memory_space<hbm>> -> memref<40x128xi32, #tpu.memory_space<hbm>>
    tpu.wait_dma2 semaphore(%arg11 : memref<!tpu.dma_semaphore, #tpu.memory_space<semaphore_mem>>) src(%dma_wait3A_106 : memref<40x128xi32, #tpu.memory_space<hbm>>) dst(%arg6 : memref<40x128xi32, #tpu.memory_space<vmem>>)
    %dma_wait3A_107 = arith.constant 0 : i32
    %dma_wait3A_108 = arith.constant 0 : i32
    %dma_wait3A_109 = tpu.memref_slice %arg4[%add3A, %dma_wait3A_107, %dma_wait3A_108] : memref<32x80x128xi32, #tpu.memory_space<hbm>> -> memref<1x80x128xi32, #tpu.memory_space<hbm>>
    %dma_wait3A_110 = tpu.memref_squeeze %dma_wait3A_109 : memref<1x80x128xi32, #tpu.memory_space<hbm>> -> memref<80x128xi32, #tpu.memory_space<hbm>>
    %dma_wait3A_111 = arith.constant 0 : i32
    %dma_wait3A_112 = arith.constant 0 : i32
    %dma_wait3A_113 = tpu.memref_slice %arg4[%add3A, %dma_wait3A_111, %dma_wait3A_112] : memref<32x80x128xi32, #tpu.memory_space<hbm>> -> memref<1x80x128xi32, #tpu.memory_space<hbm>>
    %dma_wait3A_114 = tpu.memref_squeeze %dma_wait3A_113 : memref<1x80x128xi32, #tpu.memory_space<hbm>> -> memref<80x128xi32, #tpu.memory_space<hbm>>
    tpu.wait_dma2 semaphore(%arg12 : memref<!tpu.dma_semaphore, #tpu.memory_space<semaphore_mem>>) src(%dma_wait3A_114 : memref<80x128xi32, #tpu.memory_space<hbm>>) dst(%arg7 : memref<80x128xi32, #tpu.memory_space<vmem>>)
    %barrier3A = arith.constant 0 : index
    tpu.barrier barrier_id(%barrier3A)
    %dma_start3A_115 = arith.constant 0 : i32
    %dma_start3A_116 = arith.constant 0 : i32
    %dma_start3A_117 = tpu.memref_slice %arg6[%dma_start3A_115, %dma_start3A_116] : memref<40x128xi32, #tpu.memory_space<vmem>> -> memref<1x128xi32, #tpu.memory_space<vmem>>
    %dma_start3A_118 = tpu.memref_squeeze %dma_start3A_117 : memref<1x128xi32, #tpu.memory_space<vmem>> -> memref<128xi32, #tpu.memory_space<vmem>>
    %dma_start3A_119 = arith.constant 0 : i32
    %dma_start3A_120 = arith.constant 0 : i32
    %dma_start3A_121 = tpu.memref_slice %arg2[%dma_start3A_119, %dma_start3A_120] : memref<10128x128xf32, #tpu.memory_space<hbm>> -> memref<10128x128xf32, #tpu.memory_space<hbm>>
    tpu.enqueue_indirect_dma source(%dma_start3A_121 : memref<10128x128xf32, #tpu.memory_space<hbm>>) target(%arg8 : memref<128x128xf32, #tpu.memory_space<vmem>>) offsets(%dma_start3A_118 : memref<128xi32, #tpu.memory_space<vmem>>) semaphore(%arg11 : memref<!tpu.dma_semaphore, #tpu.memory_space<semaphore_mem>>)
    %scan3A_122 = arith.constant 0 : i32
    %scan3A_123 = arith.constant 19 : i32
    %scan3A_124 = arith.addi %scan3A_122, %scan3A_123 : i32
    %scan3A_125 = arith.constant 1 : i32
    scf.for %scan3A_190 = %scan3A_122 to %scan3A_124 step %scan3A_125  : i32 {
      %mul3A_191 = arith.constant 1 : i32
      %mul3A_192 = arith.muli %scan3A_190, %mul3A_191 : i32
      %add3A_193 = arith.constant 0 : i32
      %add3A_194 = arith.addi %add3A_193, %mul3A_192 : i32
      %mul3A_195 = arith.constant 2 : i32
      %mul3A_196 = arith.muli %mul3A_195, %add3A_194 : i32
      %add3A_197 = arith.constant 0 : i32
      %add3A_198 = arith.addi %add3A_197, %mul3A_196 : i32
      %add3A_199 = arith.constant 1 : i32
      %add3A_200 = arith.addi %add3A_198, %add3A_199 : i32
      %sub3A_201 = arith.constant 0 : i32
      %sub3A_202 = arith.subi %add3A_200, %sub3A_201 : i32
      %dma_start3A_203 = arith.constant 0 : i32
      %dma_start3A_204 = tpu.memref_slice %arg6[%sub3A_202, %dma_start3A_203] : memref<40x128xi32, #tpu.memory_space<vmem>> -> memref<1x128xi32, #tpu.memory_space<vmem>>
      %dma_start3A_205 = tpu.memref_squeeze %dma_start3A_204 : memref<1x128xi32, #tpu.memory_space<vmem>> -> memref<128xi32, #tpu.memory_space<vmem>>
      %dma_start3A_206 = arith.constant 0 : i32
      %dma_start3A_207 = arith.constant 0 : i32
      %dma_start3A_208 = tpu.memref_slice %arg2[%dma_start3A_206, %dma_start3A_207] : memref<10128x128xf32, #tpu.memory_space<hbm>> -> memref<10128x128xf32, #tpu.memory_space<hbm>>
      tpu.enqueue_indirect_dma source(%dma_start3A_208 : memref<10128x128xf32, #tpu.memory_space<hbm>>) target(%arg9 : memref<128x128xf32, #tpu.memory_space<vmem>>) offsets(%dma_start3A_205 : memref<128xi32, #tpu.memory_space<vmem>>) semaphore(%arg12 : memref<!tpu.dma_semaphore, #tpu.memory_space<semaphore_mem>>)
      %sub3A_209 = arith.constant 0 : i32
      %sub3A_210 = arith.subi %add3A_198, %sub3A_209 : i32
      %dma_wait3A_211 = arith.constant 0 : i32
      %dma_wait3A_212 = tpu.memref_slice %arg6[%sub3A_210, %dma_wait3A_211] : memref<40x128xi32, #tpu.memory_space<vmem>> -> memref<1x128xi32, #tpu.memory_space<vmem>>
      %dma_wait3A_213 = tpu.memref_squeeze %dma_wait3A_212 : memref<1x128xi32, #tpu.memory_space<vmem>> -> memref<128xi32, #tpu.memory_space<vmem>>
      %dma_wait3A_214 = arith.constant 0 : i32
      %dma_wait3A_215 = arith.constant 0 : i32
      %dma_wait3A_216 = tpu.memref_slice %arg2[%dma_wait3A_214, %dma_wait3A_215] : memref<10128x128xf32, #tpu.memory_space<hbm>> -> memref<10128x128xf32, #tpu.memory_space<hbm>>
      tpu.wait_indirect_dma semaphore(%arg11 : memref<!tpu.dma_semaphore, #tpu.memory_space<semaphore_mem>>) src(%dma_wait3A_216 : memref<10128x128xf32, #tpu.memory_space<hbm>>) dst(%arg8 : memref<128x128xf32, #tpu.memory_space<vmem>>)
      "tpu.region"() ({
        %run_scoped3A_239 = tpu.sem_alloc : memref<!tpu.dma_semaphore, #tpu.memory_space<semaphore_mem>>
        %dma_start3A_240 = arith.constant 0 : i32
        %dma_start3A_241 = tpu.memref_slice %arg7[%add3A_198, %dma_start3A_240] : memref<80x128xi32, #tpu.memory_space<vmem>> -> memref<1x128xi32, #tpu.memory_space<vmem>>
        %dma_start3A_242 = tpu.memref_squeeze %dma_start3A_241 : memref<1x128xi32, #tpu.memory_space<vmem>> -> memref<128xi32, #tpu.memory_space<vmem>>
        %dma_start3A_243 = arith.constant 0 : i32
        %dma_start3A_244 = arith.constant 0 : i32
        %dma_start3A_245 = tpu.memref_slice %arg10[%dma_start3A_243, %dma_start3A_244] : memref<10000x128xf32, #tpu.memory_space<vmem_shared>> -> memref<10000x128xf32, #tpu.memory_space<vmem_shared>>
        tpu.enqueue_indirect_dma source(%arg8 : memref<128x128xf32, #tpu.memory_space<vmem>>) target(%dma_start3A_245 : memref<10000x128xf32, #tpu.memory_space<vmem_shared>>) offsets(%dma_start3A_242 : memref<128xi32, #tpu.memory_space<vmem>>) semaphore(%run_scoped3A_239 : memref<!tpu.dma_semaphore, #tpu.memory_space<semaphore_mem>>) {add = true}
        %dma_wait3A_246 = arith.constant 0 : i32
        %dma_wait3A_247 = tpu.memref_slice %arg7[%add3A_198, %dma_wait3A_246] : memref<80x128xi32, #tpu.memory_space<vmem>> -> memref<1x128xi32, #tpu.memory_space<vmem>>
        %dma_wait3A_248 = tpu.memref_squeeze %dma_wait3A_247 : memref<1x128xi32, #tpu.memory_space<vmem>> -> memref<128xi32, #tpu.memory_space<vmem>>
        %dma_wait3A_249 = arith.constant 0 : i32
        %dma_wait3A_250 = arith.constant 0 : i32
        %dma_wait3A_251 = tpu.memref_slice %arg10[%dma_wait3A_249, %dma_wait3A_250] : memref<10000x128xf32, #tpu.memory_space<vmem_shared>> -> memref<10000x128xf32, #tpu.memory_space<vmem_shared>>
        tpu.wait_indirect_dma semaphore(%run_scoped3A_239 : memref<!tpu.dma_semaphore, #tpu.memory_space<semaphore_mem>>) src(%arg8 : memref<128x128xf32, #tpu.memory_space<vmem>>) dst(%dma_wait3A_251 : memref<10000x128xf32, #tpu.memory_space<vmem_shared>>)
        tpu.yield
      }) : () -> ()
      %add3A_217 = arith.constant 2 : i32
      %add3A_218 = arith.addi %add3A_198, %add3A_217 : i32
      %sub3A_219 = arith.constant 0 : i32
      %sub3A_220 = arith.subi %add3A_218, %sub3A_219 : i32
      %dma_start3A_221 = arith.constant 0 : i32
      %dma_start3A_222 = tpu.memref_slice %arg6[%sub3A_220, %dma_start3A_221] : memref<40x128xi32, #tpu.memory_space<vmem>> -> memref<1x128xi32, #tpu.memory_space<vmem>>
      %dma_start3A_223 = tpu.memref_squeeze %dma_start3A_222 : memref<1x128xi32, #tpu.memory_space<vmem>> -> memref<128xi32, #tpu.memory_space<vmem>>
      %dma_start3A_224 = arith.constant 0 : i32
      %dma_start3A_225 = arith.constant 0 : i32
      %dma_start3A_226 = tpu.memref_slice %arg2[%dma_start3A_224, %dma_start3A_225] : memref<10128x128xf32, #tpu.memory_space<hbm>> -> memref<10128x128xf32, #tpu.memory_space<hbm>>
      tpu.enqueue_indirect_dma source(%dma_start3A_226 : memref<10128x128xf32, #tpu.memory_space<hbm>>) target(%arg8 : memref<128x128xf32, #tpu.memory_space<vmem>>) offsets(%dma_start3A_223 : memref<128xi32, #tpu.memory_space<vmem>>) semaphore(%arg11 : memref<!tpu.dma_semaphore, #tpu.memory_space<semaphore_mem>>)
      %add3A_227 = arith.constant 1 : i32
      %add3A_228 = arith.addi %add3A_198, %add3A_227 : i32
      %sub3A_229 = arith.constant 0 : i32
      %sub3A_230 = arith.subi %add3A_228, %sub3A_229 : i32
      %dma_wait3A_231 = arith.constant 0 : i32
      %dma_wait3A_232 = tpu.memref_slice %arg6[%sub3A_230, %dma_wait3A_231] : memref<40x128xi32, #tpu.memory_space<vmem>> -> memref<1x128xi32, #tpu.memory_space<vmem>>
      %dma_wait3A_233 = tpu.memref_squeeze %dma_wait3A_232 : memref<1x128xi32, #tpu.memory_space<vmem>> -> memref<128xi32, #tpu.memory_space<vmem>>
      %dma_wait3A_234 = arith.constant 0 : i32
      %dma_wait3A_235 = arith.constant 0 : i32
      %dma_wait3A_236 = tpu.memref_slice %arg2[%dma_wait3A_234, %dma_wait3A_235] : memref<10128x128xf32, #tpu.memory_space<hbm>> -> memref<10128x128xf32, #tpu.memory_space<hbm>>
      tpu.wait_indirect_dma semaphore(%arg12 : memref<!tpu.dma_semaphore, #tpu.memory_space<semaphore_mem>>) src(%dma_wait3A_236 : memref<10128x128xf32, #tpu.memory_space<hbm>>) dst(%arg9 : memref<128x128xf32, #tpu.memory_space<vmem>>)
      %add3A_237 = arith.constant 1 : i32
      %add3A_238 = arith.addi %add3A_198, %add3A_237 : i32
      "tpu.region"() ({
        %run_scoped3A_239 = tpu.sem_alloc : memref<!tpu.dma_semaphore, #tpu.memory_space<semaphore_mem>>
        %dma_start3A_240 = arith.constant 0 : i32
        %dma_start3A_241 = tpu.memref_slice %arg7[%add3A_238, %dma_start3A_240] : memref<80x128xi32, #tpu.memory_space<vmem>> -> memref<1x128xi32, #tpu.memory_space<vmem>>
        %dma_start3A_242 = tpu.memref_squeeze %dma_start3A_241 : memref<1x128xi32, #tpu.memory_space<vmem>> -> memref<128xi32, #tpu.memory_space<vmem>>
        %dma_start3A_243 = arith.constant 0 : i32
        %dma_start3A_244 = arith.constant 0 : i32
        %dma_start3A_245 = tpu.memref_slice %arg10[%dma_start3A_243, %dma_start3A_244] : memref<10000x128xf32, #tpu.memory_space<vmem_shared>> -> memref<10000x128xf32, #tpu.memory_space<vmem_shared>>
        tpu.enqueue_indirect_dma source(%arg9 : memref<128x128xf32, #tpu.memory_space<vmem>>) target(%dma_start3A_245 : memref<10000x128xf32, #tpu.memory_space<vmem_shared>>) offsets(%dma_start3A_242 : memref<128xi32, #tpu.memory_space<vmem>>) semaphore(%run_scoped3A_239 : memref<!tpu.dma_semaphore, #tpu.memory_space<semaphore_mem>>) {add = true}
        %dma_wait3A_246 = arith.constant 0 : i32
        %dma_wait3A_247 = tpu.memref_slice %arg7[%add3A_238, %dma_wait3A_246] : memref<80x128xi32, #tpu.memory_space<vmem>> -> memref<1x128xi32, #tpu.memory_space<vmem>>
        %dma_wait3A_248 = tpu.memref_squeeze %dma_wait3A_247 : memref<1x128xi32, #tpu.memory_space<vmem>> -> memref<128xi32, #tpu.memory_space<vmem>>
        %dma_wait3A_249 = arith.constant 0 : i32
        %dma_wait3A_250 = arith.constant 0 : i32
        %dma_wait3A_251 = tpu.memref_slice %arg10[%dma_wait3A_249, %dma_wait3A_250] : memref<10000x128xf32, #tpu.memory_space<vmem_shared>> -> memref<10000x128xf32, #tpu.memory_space<vmem_shared>>
        tpu.wait_indirect_dma semaphore(%run_scoped3A_239 : memref<!tpu.dma_semaphore, #tpu.memory_space<semaphore_mem>>) src(%arg9 : memref<128x128xf32, #tpu.memory_space<vmem>>) dst(%dma_wait3A_251 : memref<10000x128xf32, #tpu.memory_space<vmem_shared>>)
        tpu.yield
      }) : () -> ()
    }
    %scan3A_126 = arith.constant 19 : i32
    %dma_start3A_127 = arith.constant 39 : i32
    %dma_start3A_128 = arith.constant 0 : i32
    %dma_start3A_129 = tpu.memref_slice %arg6[%dma_start3A_127, %dma_start3A_128] : memref<40x128xi32, #tpu.memory_space<vmem>> -> memref<1x128xi32, #tpu.memory_space<vmem>>
    %dma_start3A_130 = tpu.memref_squeeze %dma_start3A_129 : memref<1x128xi32, #tpu.memory_space<vmem>> -> memref<128xi32, #tpu.memory_space<vmem>>
    %dma_start3A_131 = arith.constant 0 : i32
    %dma_start3A_132 = arith.constant 0 : i32
    %dma_start3A_133 = tpu.memref_slice %arg2[%dma_start3A_131, %dma_start3A_132] : memref<10128x128xf32, #tpu.memory_space<hbm>> -> memref<10128x128xf32, #tpu.memory_space<hbm>>
    tpu.enqueue_indirect_dma source(%dma_start3A_133 : memref<10128x128xf32, #tpu.memory_space<hbm>>) target(%arg9 : memref<128x128xf32, #tpu.memory_space<vmem>>) offsets(%dma_start3A_130 : memref<128xi32, #tpu.memory_space<vmem>>) semaphore(%arg12 : memref<!tpu.dma_semaphore, #tpu.memory_space<semaphore_mem>>)
    %dma_wait3A_134 = arith.constant 38 : i32
    %dma_wait3A_135 = arith.constant 0 : i32
    %dma_wait3A_136 = tpu.memref_slice %arg6[%dma_wait3A_134, %dma_wait3A_135] : memref<40x128xi32, #tpu.memory_space<vmem>> -> memref<1x128xi32, #tpu.memory_space<vmem>>
    %dma_wait3A_137 = tpu.memref_squeeze %dma_wait3A_136 : memref<1x128xi32, #tpu.memory_space<vmem>> -> memref<128xi32, #tpu.memory_space<vmem>>
    %dma_wait3A_138 = arith.constant 0 : i32
    %dma_wait3A_139 = arith.constant 0 : i32
    %dma_wait3A_140 = tpu.memref_slice %arg2[%dma_wait3A_138, %dma_wait3A_139] : memref<10128x128xf32, #tpu.memory_space<hbm>> -> memref<10128x128xf32, #tpu.memory_space<hbm>>
    tpu.wait_indirect_dma semaphore(%arg11 : memref<!tpu.dma_semaphore, #tpu.memory_space<semaphore_mem>>) src(%dma_wait3A_140 : memref<10128x128xf32, #tpu.memory_space<hbm>>) dst(%arg8 : memref<128x128xf32, #tpu.memory_space<vmem>>)
    %run_scoped3A = arith.constant 38 : i32
    "tpu.region"() ({
      %run_scoped3A_190 = tpu.sem_alloc : memref<!tpu.dma_semaphore, #tpu.memory_space<semaphore_mem>>
      %dma_start3A_191 = arith.constant 0 : i32
      %dma_start3A_192 = tpu.memref_slice %arg7[%run_scoped3A, %dma_start3A_191] : memref<80x128xi32, #tpu.memory_space<vmem>> -> memref<1x128xi32, #tpu.memory_space<vmem>>
      %dma_start3A_193 = tpu.memref_squeeze %dma_start3A_192 : memref<1x128xi32, #tpu.memory_space<vmem>> -> memref<128xi32, #tpu.memory_space<vmem>>
      %dma_start3A_194 = arith.constant 0 : i32
      %dma_start3A_195 = arith.constant 0 : i32
      %dma_start3A_196 = tpu.memref_slice %arg10[%dma_start3A_194, %dma_start3A_195] : memref<10000x128xf32, #tpu.memory_space<vmem_shared>> -> memref<10000x128xf32, #tpu.memory_space<vmem_shared>>
      tpu.enqueue_indirect_dma source(%arg8 : memref<128x128xf32, #tpu.memory_space<vmem>>) target(%dma_start3A_196 : memref<10000x128xf32, #tpu.memory_space<vmem_shared>>) offsets(%dma_start3A_193 : memref<128xi32, #tpu.memory_space<vmem>>) semaphore(%run_scoped3A_190 : memref<!tpu.dma_semaphore, #tpu.memory_space<semaphore_mem>>) {add = true}
      %dma_wait3A_197 = arith.constant 0 : i32
      %dma_wait3A_198 = tpu.memref_slice %arg7[%run_scoped3A, %dma_wait3A_197] : memref<80x128xi32, #tpu.memory_space<vmem>> -> memref<1x128xi32, #tpu.memory_space<vmem>>
      %dma_wait3A_199 = tpu.memref_squeeze %dma_wait3A_198 : memref<1x128xi32, #tpu.memory_space<vmem>> -> memref<128xi32, #tpu.memory_space<vmem>>
      %dma_wait3A_200 = arith.constant 0 : i32
      %dma_wait3A_201 = arith.constant 0 : i32
      %dma_wait3A_202 = tpu.memref_slice %arg10[%dma_wait3A_200, %dma_wait3A_201] : memref<10000x128xf32, #tpu.memory_space<vmem_shared>> -> memref<10000x128xf32, #tpu.memory_space<vmem_shared>>
      tpu.wait_indirect_dma semaphore(%run_scoped3A_190 : memref<!tpu.dma_semaphore, #tpu.memory_space<semaphore_mem>>) src(%arg8 : memref<128x128xf32, #tpu.memory_space<vmem>>) dst(%dma_wait3A_202 : memref<10000x128xf32, #tpu.memory_space<vmem_shared>>)
      tpu.yield
    }) : () -> ()
    %dma_wait3A_141 = arith.constant 39 : i32
    %dma_wait3A_142 = arith.constant 0 : i32
    %dma_wait3A_143 = tpu.memref_slice %arg6[%dma_wait3A_141, %dma_wait3A_142] : memref<40x128xi32, #tpu.memory_space<vmem>> -> memref<1x128xi32, #tpu.memory_space<vmem>>
    %dma_wait3A_144 = tpu.memref_squeeze %dma_wait3A_143 : memref<1x128xi32, #tpu.memory_space<vmem>> -> memref<128xi32, #tpu.memory_space<vmem>>
    %dma_wait3A_145 = arith.constant 0 : i32
    %dma_wait3A_146 = arith.constant 0 : i32
    %dma_wait3A_147 = tpu.memref_slice %arg2[%dma_wait3A_145, %dma_wait3A_146] : memref<10128x128xf32, #tpu.memory_space<hbm>> -> memref<10128x128xf32, #tpu.memory_space<hbm>>
    tpu.wait_indirect_dma semaphore(%arg12 : memref<!tpu.dma_semaphore, #tpu.memory_space<semaphore_mem>>) src(%dma_wait3A_147 : memref<10128x128xf32, #tpu.memory_space<hbm>>) dst(%arg9 : memref<128x128xf32, #tpu.memory_space<vmem>>)
    %run_scoped3A_148 = arith.constant 39 : i32
    "tpu.region"() ({
      %run_scoped3A_190 = tpu.sem_alloc : memref<!tpu.dma_semaphore, #tpu.memory_space<semaphore_mem>>
      %dma_start3A_191 = arith.constant 0 : i32
      %dma_start3A_192 = tpu.memref_slice %arg7[%run_scoped3A_148, %dma_start3A_191] : memref<80x128xi32, #tpu.memory_space<vmem>> -> memref<1x128xi32, #tpu.memory_space<vmem>>
      %dma_start3A_193 = tpu.memref_squeeze %dma_start3A_192 : memref<1x128xi32, #tpu.memory_space<vmem>> -> memref<128xi32, #tpu.memory_space<vmem>>
      %dma_start3A_194 = arith.constant 0 : i32
      %dma_start3A_195 = arith.constant 0 : i32
      %dma_start3A_196 = tpu.memref_slice %arg10[%dma_start3A_194, %dma_start3A_195] : memref<10000x128xf32, #tpu.memory_space<vmem_shared>> -> memref<10000x128xf32, #tpu.memory_space<vmem_shared>>
      tpu.enqueue_indirect_dma source(%arg9 : memref<128x128xf32, #tpu.memory_space<vmem>>) target(%dma_start3A_196 : memref<10000x128xf32, #tpu.memory_space<vmem_shared>>) offsets(%dma_start3A_193 : memref<128xi32, #tpu.memory_space<vmem>>) semaphore(%run_scoped3A_190 : memref<!tpu.dma_semaphore, #tpu.memory_space<semaphore_mem>>) {add = true}
      %dma_wait3A_197 = arith.constant 0 : i32
      %dma_wait3A_198 = tpu.memref_slice %arg7[%run_scoped3A_148, %dma_wait3A_197] : memref<80x128xi32, #tpu.memory_space<vmem>> -> memref<1x128xi32, #tpu.memory_space<vmem>>
      %dma_wait3A_199 = tpu.memref_squeeze %dma_wait3A_198 : memref<1x128xi32, #tpu.memory_space<vmem>> -> memref<128xi32, #tpu.memory_space<vmem>>
      %dma_wait3A_200 = arith.constant 0 : i32
      %dma_wait3A_201 = arith.constant 0 : i32
      %dma_wait3A_202 = tpu.memref_slice %arg10[%dma_wait3A_200, %dma_wait3A_201] : memref<10000x128xf32, #tpu.memory_space<vmem_shared>> -> memref<10000x128xf32, #tpu.memory_space<vmem_shared>>
      tpu.wait_indirect_dma semaphore(%run_scoped3A_190 : memref<!tpu.dma_semaphore, #tpu.memory_space<semaphore_mem>>) src(%arg9 : memref<128x128xf32, #tpu.memory_space<vmem>>) dst(%dma_wait3A_202 : memref<10000x128xf32, #tpu.memory_space<vmem_shared>>)
      tpu.yield
    }) : () -> ()
    "tpu.region"() ({
      %run_scoped3A_190 = tpu.sem_alloc : memref<!tpu.dma_semaphore, #tpu.memory_space<semaphore_mem>>
      %dma_start3A_191 = arith.constant 40 : i32
      %dma_start3A_192 = arith.constant 0 : i32
      %dma_start3A_193 = tpu.memref_slice %arg3[%add3A, %dma_start3A_191, %dma_start3A_192] : memref<32x80x128xi32, #tpu.memory_space<hbm>> -> memref<1x40x128xi32, #tpu.memory_space<hbm>>
      %dma_start3A_194 = tpu.memref_squeeze %dma_start3A_193 : memref<1x40x128xi32, #tpu.memory_space<hbm>> -> memref<40x128xi32, #tpu.memory_space<hbm>>
      %dma_start3A_195 = arith.constant 40 : i32
      %dma_start3A_196 = arith.constant 0 : i32
      %dma_start3A_197 = tpu.memref_slice %arg3[%add3A, %dma_start3A_195, %dma_start3A_196] : memref<32x80x128xi32, #tpu.memory_space<hbm>> -> memref<1x40x128xi32, #tpu.memory_space<hbm>>
      %dma_start3A_198 = tpu.memref_squeeze %dma_start3A_197 : memref<1x40x128xi32, #tpu.memory_space<hbm>> -> memref<40x128xi32, #tpu.memory_space<hbm>>
      tpu.enqueue_dma source(%dma_start3A_198 : memref<40x128xi32, #tpu.memory_space<hbm>>) target(%arg6 : memref<40x128xi32, #tpu.memory_space<vmem>>) target_semaphore(%run_scoped3A_190 : memref<!tpu.dma_semaphore, #tpu.memory_space<semaphore_mem>>)
      %dma_wait3A_199 = arith.constant 40 : i32
      %dma_wait3A_200 = arith.constant 0 : i32
      %dma_wait3A_201 = tpu.memref_slice %arg3[%add3A, %dma_wait3A_199, %dma_wait3A_200] : memref<32x80x128xi32, #tpu.memory_space<hbm>> -> memref<1x40x128xi32, #tpu.memory_space<hbm>>
      %dma_wait3A_202 = tpu.memref_squeeze %dma_wait3A_201 : memref<1x40x128xi32, #tpu.memory_space<hbm>> -> memref<40x128xi32, #tpu.memory_space<hbm>>
      %dma_wait3A_203 = arith.constant 40 : i32
      %dma_wait3A_204 = arith.constant 0 : i32
      %dma_wait3A_205 = tpu.memref_slice %arg3[%add3A, %dma_wait3A_203, %dma_wait3A_204] : memref<32x80x128xi32, #tpu.memory_space<hbm>> -> memref<1x40x128xi32, #tpu.memory_space<hbm>>
      %dma_wait3A_206 = tpu.memref_squeeze %dma_wait3A_205 : memref<1x40x128xi32, #tpu.memory_space<hbm>> -> memref<40x128xi32, #tpu.memory_space<hbm>>
      tpu.wait_dma2 semaphore(%run_scoped3A_190 : memref<!tpu.dma_semaphore, #tpu.memory_space<semaphore_mem>>) src(%dma_wait3A_206 : memref<40x128xi32, #tpu.memory_space<hbm>>) dst(%arg6 : memref<40x128xi32, #tpu.memory_space<vmem>>)
      tpu.yield
    }) : () -> ()
    %dma_start3A_149 = arith.constant 0 : i32
    %dma_start3A_150 = arith.constant 0 : i32
    %dma_start3A_151 = tpu.memref_slice %arg6[%dma_start3A_149, %dma_start3A_150] : memref<40x128xi32, #tpu.memory_space<vmem>> -> memref<1x128xi32, #tpu.memory_space<vmem>>
    %dma_start3A_152 = tpu.memref_squeeze %dma_start3A_151 : memref<1x128xi32, #tpu.memory_space<vmem>> -> memref<128xi32, #tpu.memory_space<vmem>>
    %dma_start3A_153 = arith.constant 0 : i32
    %dma_start3A_154 = arith.constant 0 : i32
    %dma_start3A_155 = tpu.memref_slice %arg2[%dma_start3A_153, %dma_start3A_154] : memref<10128x128xf32, #tpu.memory_space<hbm>> -> memref<10128x128xf32, #tpu.memory_space<hbm>>
    tpu.enqueue_indirect_dma source(%dma_start3A_155 : memref<10128x128xf32, #tpu.memory_space<hbm>>) target(%arg8 : memref<128x128xf32, #tpu.memory_space<vmem>>) offsets(%dma_start3A_152 : memref<128xi32, #tpu.memory_space<vmem>>) semaphore(%arg11 : memref<!tpu.dma_semaphore, #tpu.memory_space<semaphore_mem>>)
    %scan3A_156 = arith.constant 0 : i32
    %scan3A_157 = arith.constant 19 : i32
    %scan3A_158 = arith.addi %scan3A_156, %scan3A_157 : i32
    %scan3A_159 = arith.constant 1 : i32
    scf.for %scan3A_190 = %scan3A_156 to %scan3A_158 step %scan3A_159  : i32 {
      %mul3A_191 = arith.constant 1 : i32
      %mul3A_192 = arith.muli %scan3A_190, %mul3A_191 : i32
      %add3A_193 = arith.constant 0 : i32
      %add3A_194 = arith.addi %add3A_193, %mul3A_192 : i32
      %mul3A_195 = arith.constant 2 : i32
      %mul3A_196 = arith.muli %mul3A_195, %add3A_194 : i32
      %add3A_197 = arith.constant 40 : i32
      %add3A_198 = arith.addi %add3A_197, %mul3A_196 : i32
      %add3A_199 = arith.constant 1 : i32
      %add3A_200 = arith.addi %add3A_198, %add3A_199 : i32
      %sub3A_201 = arith.constant 40 : i32
      %sub3A_202 = arith.subi %add3A_200, %sub3A_201 : i32
      %dma_start3A_203 = arith.constant 0 : i32
      %dma_start3A_204 = tpu.memref_slice %arg6[%sub3A_202, %dma_start3A_203] : memref<40x128xi32, #tpu.memory_space<vmem>> -> memref<1x128xi32, #tpu.memory_space<vmem>>
      %dma_start3A_205 = tpu.memref_squeeze %dma_start3A_204 : memref<1x128xi32, #tpu.memory_space<vmem>> -> memref<128xi32, #tpu.memory_space<vmem>>
      %dma_start3A_206 = arith.constant 0 : i32
      %dma_start3A_207 = arith.constant 0 : i32
      %dma_start3A_208 = tpu.memref_slice %arg2[%dma_start3A_206, %dma_start3A_207] : memref<10128x128xf32, #tpu.memory_space<hbm>> -> memref<10128x128xf32, #tpu.memory_space<hbm>>
      tpu.enqueue_indirect_dma source(%dma_start3A_208 : memref<10128x128xf32, #tpu.memory_space<hbm>>) target(%arg9 : memref<128x128xf32, #tpu.memory_space<vmem>>) offsets(%dma_start3A_205 : memref<128xi32, #tpu.memory_space<vmem>>) semaphore(%arg12 : memref<!tpu.dma_semaphore, #tpu.memory_space<semaphore_mem>>)
      %sub3A_209 = arith.constant 40 : i32
      %sub3A_210 = arith.subi %add3A_198, %sub3A_209 : i32
      %dma_wait3A_211 = arith.constant 0 : i32
      %dma_wait3A_212 = tpu.memref_slice %arg6[%sub3A_210, %dma_wait3A_211] : memref<40x128xi32, #tpu.memory_space<vmem>> -> memref<1x128xi32, #tpu.memory_space<vmem>>
      %dma_wait3A_213 = tpu.memref_squeeze %dma_wait3A_212 : memref<1x128xi32, #tpu.memory_space<vmem>> -> memref<128xi32, #tpu.memory_space<vmem>>
      %dma_wait3A_214 = arith.constant 0 : i32
      %dma_wait3A_215 = arith.constant 0 : i32
      %dma_wait3A_216 = tpu.memref_slice %arg2[%dma_wait3A_214, %dma_wait3A_215] : memref<10128x128xf32, #tpu.memory_space<hbm>> -> memref<10128x128xf32, #tpu.memory_space<hbm>>
      tpu.wait_indirect_dma semaphore(%arg11 : memref<!tpu.dma_semaphore, #tpu.memory_space<semaphore_mem>>) src(%dma_wait3A_216 : memref<10128x128xf32, #tpu.memory_space<hbm>>) dst(%arg8 : memref<128x128xf32, #tpu.memory_space<vmem>>)
      "tpu.region"() ({
        %run_scoped3A_239 = tpu.sem_alloc : memref<!tpu.dma_semaphore, #tpu.memory_space<semaphore_mem>>
        %dma_start3A_240 = arith.constant 0 : i32
        %dma_start3A_241 = tpu.memref_slice %arg7[%add3A_198, %dma_start3A_240] : memref<80x128xi32, #tpu.memory_space<vmem>> -> memref<1x128xi32, #tpu.memory_space<vmem>>
        %dma_start3A_242 = tpu.memref_squeeze %dma_start3A_241 : memref<1x128xi32, #tpu.memory_space<vmem>> -> memref<128xi32, #tpu.memory_space<vmem>>
        %dma_start3A_243 = arith.constant 0 : i32
        %dma_start3A_244 = arith.constant 0 : i32
        %dma_start3A_245 = tpu.memref_slice %arg10[%dma_start3A_243, %dma_start3A_244] : memref<10000x128xf32, #tpu.memory_space<vmem_shared>> -> memref<10000x128xf32, #tpu.memory_space<vmem_shared>>
        tpu.enqueue_indirect_dma source(%arg8 : memref<128x128xf32, #tpu.memory_space<vmem>>) target(%dma_start3A_245 : memref<10000x128xf32, #tpu.memory_space<vmem_shared>>) offsets(%dma_start3A_242 : memref<128xi32, #tpu.memory_space<vmem>>) semaphore(%run_scoped3A_239 : memref<!tpu.dma_semaphore, #tpu.memory_space<semaphore_mem>>) {add = true}
        %dma_wait3A_246 = arith.constant 0 : i32
        %dma_wait3A_247 = tpu.memref_slice %arg7[%add3A_198, %dma_wait3A_246] : memref<80x128xi32, #tpu.memory_space<vmem>> -> memref<1x128xi32, #tpu.memory_space<vmem>>
        %dma_wait3A_248 = tpu.memref_squeeze %dma_wait3A_247 : memref<1x128xi32, #tpu.memory_space<vmem>> -> memref<128xi32, #tpu.memory_space<vmem>>
        %dma_wait3A_249 = arith.constant 0 : i32
        %dma_wait3A_250 = arith.constant 0 : i32
        %dma_wait3A_251 = tpu.memref_slice %arg10[%dma_wait3A_249, %dma_wait3A_250] : memref<10000x128xf32, #tpu.memory_space<vmem_shared>> -> memref<10000x128xf32, #tpu.memory_space<vmem_shared>>
        tpu.wait_indirect_dma semaphore(%run_scoped3A_239 : memref<!tpu.dma_semaphore, #tpu.memory_space<semaphore_mem>>) src(%arg8 : memref<128x128xf32, #tpu.memory_space<vmem>>) dst(%dma_wait3A_251 : memref<10000x128xf32, #tpu.memory_space<vmem_shared>>)
        tpu.yield
      }) : () -> ()
      %add3A_217 = arith.constant 2 : i32
      %add3A_218 = arith.addi %add3A_198, %add3A_217 : i32
      %sub3A_219 = arith.constant 40 : i32
      %sub3A_220 = arith.subi %add3A_218, %sub3A_219 : i32
      %dma_start3A_221 = arith.constant 0 : i32
      %dma_start3A_222 = tpu.memref_slice %arg6[%sub3A_220, %dma_start3A_221] : memref<40x128xi32, #tpu.memory_space<vmem>> -> memref<1x128xi32, #tpu.memory_space<vmem>>
      %dma_start3A_223 = tpu.memref_squeeze %dma_start3A_222 : memref<1x128xi32, #tpu.memory_space<vmem>> -> memref<128xi32, #tpu.memory_space<vmem>>
      %dma_start3A_224 = arith.constant 0 : i32
      %dma_start3A_225 = arith.constant 0 : i32
      %dma_start3A_226 = tpu.memref_slice %arg2[%dma_start3A_224, %dma_start3A_225] : memref<10128x128xf32, #tpu.memory_space<hbm>> -> memref<10128x128xf32, #tpu.memory_space<hbm>>
      tpu.enqueue_indirect_dma source(%dma_start3A_226 : memref<10128x128xf32, #tpu.memory_space<hbm>>) target(%arg8 : memref<128x128xf32, #tpu.memory_space<vmem>>) offsets(%dma_start3A_223 : memref<128xi32, #tpu.memory_space<vmem>>) semaphore(%arg11 : memref<!tpu.dma_semaphore, #tpu.memory_space<semaphore_mem>>)
      %add3A_227 = arith.constant 1 : i32
      %add3A_228 = arith.addi %add3A_198, %add3A_227 : i32
      %sub3A_229 = arith.constant 40 : i32
      %sub3A_230 = arith.subi %add3A_228, %sub3A_229 : i32
      %dma_wait3A_231 = arith.constant 0 : i32
      %dma_wait3A_232 = tpu.memref_slice %arg6[%sub3A_230, %dma_wait3A_231] : memref<40x128xi32, #tpu.memory_space<vmem>> -> memref<1x128xi32, #tpu.memory_space<vmem>>
      %dma_wait3A_233 = tpu.memref_squeeze %dma_wait3A_232 : memref<1x128xi32, #tpu.memory_space<vmem>> -> memref<128xi32, #tpu.memory_space<vmem>>
      %dma_wait3A_234 = arith.constant 0 : i32
      %dma_wait3A_235 = arith.constant 0 : i32
      %dma_wait3A_236 = tpu.memref_slice %arg2[%dma_wait3A_234, %dma_wait3A_235] : memref<10128x128xf32, #tpu.memory_space<hbm>> -> memref<10128x128xf32, #tpu.memory_space<hbm>>
      tpu.wait_indirect_dma semaphore(%arg12 : memref<!tpu.dma_semaphore, #tpu.memory_space<semaphore_mem>>) src(%dma_wait3A_236 : memref<10128x128xf32, #tpu.memory_space<hbm>>) dst(%arg9 : memref<128x128xf32, #tpu.memory_space<vmem>>)
      %add3A_237 = arith.constant 1 : i32
      %add3A_238 = arith.addi %add3A_198, %add3A_237 : i32
      "tpu.region"() ({
        %run_scoped3A_239 = tpu.sem_alloc : memref<!tpu.dma_semaphore, #tpu.memory_space<semaphore_mem>>
        %dma_start3A_240 = arith.constant 0 : i32
        %dma_start3A_241 = tpu.memref_slice %arg7[%add3A_238, %dma_start3A_240] : memref<80x128xi32, #tpu.memory_space<vmem>> -> memref<1x128xi32, #tpu.memory_space<vmem>>
        %dma_start3A_242 = tpu.memref_squeeze %dma_start3A_241 : memref<1x128xi32, #tpu.memory_space<vmem>> -> memref<128xi32, #tpu.memory_space<vmem>>
        %dma_start3A_243 = arith.constant 0 : i32
        %dma_start3A_244 = arith.constant 0 : i32
        %dma_start3A_245 = tpu.memref_slice %arg10[%dma_start3A_243, %dma_start3A_244] : memref<10000x128xf32, #tpu.memory_space<vmem_shared>> -> memref<10000x128xf32, #tpu.memory_space<vmem_shared>>
        tpu.enqueue_indirect_dma source(%arg9 : memref<128x128xf32, #tpu.memory_space<vmem>>) target(%dma_start3A_245 : memref<10000x128xf32, #tpu.memory_space<vmem_shared>>) offsets(%dma_start3A_242 : memref<128xi32, #tpu.memory_space<vmem>>) semaphore(%run_scoped3A_239 : memref<!tpu.dma_semaphore, #tpu.memory_space<semaphore_mem>>) {add = true}
        %dma_wait3A_246 = arith.constant 0 : i32
        %dma_wait3A_247 = tpu.memref_slice %arg7[%add3A_238, %dma_wait3A_246] : memref<80x128xi32, #tpu.memory_space<vmem>> -> memref<1x128xi32, #tpu.memory_space<vmem>>
        %dma_wait3A_248 = tpu.memref_squeeze %dma_wait3A_247 : memref<1x128xi32, #tpu.memory_space<vmem>> -> memref<128xi32, #tpu.memory_space<vmem>>
        %dma_wait3A_249 = arith.constant 0 : i32
        %dma_wait3A_250 = arith.constant 0 : i32
        %dma_wait3A_251 = tpu.memref_slice %arg10[%dma_wait3A_249, %dma_wait3A_250] : memref<10000x128xf32, #tpu.memory_space<vmem_shared>> -> memref<10000x128xf32, #tpu.memory_space<vmem_shared>>
        tpu.wait_indirect_dma semaphore(%run_scoped3A_239 : memref<!tpu.dma_semaphore, #tpu.memory_space<semaphore_mem>>) src(%arg9 : memref<128x128xf32, #tpu.memory_space<vmem>>) dst(%dma_wait3A_251 : memref<10000x128xf32, #tpu.memory_space<vmem_shared>>)
        tpu.yield
      }) : () -> ()
    }
    %scan3A_160 = arith.constant 19 : i32
    %dma_start3A_161 = arith.constant 39 : i32
    %dma_start3A_162 = arith.constant 0 : i32
    %dma_start3A_163 = tpu.memref_slice %arg6[%dma_start3A_161, %dma_start3A_162] : memref<40x128xi32, #tpu.memory_space<vmem>> -> memref<1x128xi32, #tpu.memory_space<vmem>>
    %dma_start3A_164 = tpu.memref_squeeze %dma_start3A_163 : memref<1x128xi32, #tpu.memory_space<vmem>> -> memref<128xi32, #tpu.memory_space<vmem>>
    %dma_start3A_165 = arith.constant 0 : i32
    %dma_start3A_166 = arith.constant 0 : i32
    %dma_start3A_167 = tpu.memref_slice %arg2[%dma_start3A_165, %dma_start3A_166] : memref<10128x128xf32, #tpu.memory_space<hbm>> -> memref<10128x128xf32, #tpu.memory_space<hbm>>
    tpu.enqueue_indirect_dma source(%dma_start3A_167 : memref<10128x128xf32, #tpu.memory_space<hbm>>) target(%arg9 : memref<128x128xf32, #tpu.memory_space<vmem>>) offsets(%dma_start3A_164 : memref<128xi32, #tpu.memory_space<vmem>>) semaphore(%arg12 : memref<!tpu.dma_semaphore, #tpu.memory_space<semaphore_mem>>)
    %dma_wait3A_168 = arith.constant 38 : i32
    %dma_wait3A_169 = arith.constant 0 : i32
    %dma_wait3A_170 = tpu.memref_slice %arg6[%dma_wait3A_168, %dma_wait3A_169] : memref<40x128xi32, #tpu.memory_space<vmem>> -> memref<1x128xi32, #tpu.memory_space<vmem>>
    %dma_wait3A_171 = tpu.memref_squeeze %dma_wait3A_170 : memref<1x128xi32, #tpu.memory_space<vmem>> -> memref<128xi32, #tpu.memory_space<vmem>>
    %dma_wait3A_172 = arith.constant 0 : i32
    %dma_wait3A_173 = arith.constant 0 : i32
    %dma_wait3A_174 = tpu.memref_slice %arg2[%dma_wait3A_172, %dma_wait3A_173] : memref<10128x128xf32, #tpu.memory_space<hbm>> -> memref<10128x128xf32, #tpu.memory_space<hbm>>
    tpu.wait_indirect_dma semaphore(%arg11 : memref<!tpu.dma_semaphore, #tpu.memory_space<semaphore_mem>>) src(%dma_wait3A_174 : memref<10128x128xf32, #tpu.memory_space<hbm>>) dst(%arg8 : memref<128x128xf32, #tpu.memory_space<vmem>>)
    %run_scoped3A_175 = arith.constant 78 : i32
    "tpu.region"() ({
      %run_scoped3A_190 = tpu.sem_alloc : memref<!tpu.dma_semaphore, #tpu.memory_space<semaphore_mem>>
      %dma_start3A_191 = arith.constant 0 : i32
      %dma_start3A_192 = tpu.memref_slice %arg7[%run_scoped3A_175, %dma_start3A_191] : memref<80x128xi32, #tpu.memory_space<vmem>> -> memref<1x128xi32, #tpu.memory_space<vmem>>
      %dma_start3A_193 = tpu.memref_squeeze %dma_start3A_192 : memref<1x128xi32, #tpu.memory_space<vmem>> -> memref<128xi32, #tpu.memory_space<vmem>>
      %dma_start3A_194 = arith.constant 0 : i32
      %dma_start3A_195 = arith.constant 0 : i32
      %dma_start3A_196 = tpu.memref_slice %arg10[%dma_start3A_194, %dma_start3A_195] : memref<10000x128xf32, #tpu.memory_space<vmem_shared>> -> memref<10000x128xf32, #tpu.memory_space<vmem_shared>>
      tpu.enqueue_indirect_dma source(%arg8 : memref<128x128xf32, #tpu.memory_space<vmem>>) target(%dma_start3A_196 : memref<10000x128xf32, #tpu.memory_space<vmem_shared>>) offsets(%dma_start3A_193 : memref<128xi32, #tpu.memory_space<vmem>>) semaphore(%run_scoped3A_190 : memref<!tpu.dma_semaphore, #tpu.memory_space<semaphore_mem>>) {add = true}
      %dma_wait3A_197 = arith.constant 0 : i32
      %dma_wait3A_198 = tpu.memref_slice %arg7[%run_scoped3A_175, %dma_wait3A_197] : memref<80x128xi32, #tpu.memory_space<vmem>> -> memref<1x128xi32, #tpu.memory_space<vmem>>
      %dma_wait3A_199 = tpu.memref_squeeze %dma_wait3A_198 : memref<1x128xi32, #tpu.memory_space<vmem>> -> memref<128xi32, #tpu.memory_space<vmem>>
      %dma_wait3A_200 = arith.constant 0 : i32
      %dma_wait3A_201 = arith.constant 0 : i32
      %dma_wait3A_202 = tpu.memref_slice %arg10[%dma_wait3A_200, %dma_wait3A_201] : memref<10000x128xf32, #tpu.memory_space<vmem_shared>> -> memref<10000x128xf32, #tpu.memory_space<vmem_shared>>
      tpu.wait_indirect_dma semaphore(%run_scoped3A_190 : memref<!tpu.dma_semaphore, #tpu.memory_space<semaphore_mem>>) src(%arg8 : memref<128x128xf32, #tpu.memory_space<vmem>>) dst(%dma_wait3A_202 : memref<10000x128xf32, #tpu.memory_space<vmem_shared>>)
      tpu.yield
    }) : () -> ()
    %dma_wait3A_176 = arith.constant 39 : i32
    %dma_wait3A_177 = arith.constant 0 : i32
    %dma_wait3A_178 = tpu.memref_slice %arg6[%dma_wait3A_176, %dma_wait3A_177] : memref<40x128xi32, #tpu.memory_space<vmem>> -> memref<1x128xi32, #tpu.memory_space<vmem>>
    %dma_wait3A_179 = tpu.memref_squeeze %dma_wait3A_178 : memref<1x128xi32, #tpu.memory_space<vmem>> -> memref<128xi32, #tpu.memory_space<vmem>>
    %dma_wait3A_180 = arith.constant 0 : i32
    %dma_wait3A_181 = arith.constant 0 : i32
    %dma_wait3A_182 = tpu.memref_slice %arg2[%dma_wait3A_180, %dma_wait3A_181] : memref<10128x128xf32, #tpu.memory_space<hbm>> -> memref<10128x128xf32, #tpu.memory_space<hbm>>
    tpu.wait_indirect_dma semaphore(%arg12 : memref<!tpu.dma_semaphore, #tpu.memory_space<semaphore_mem>>) src(%dma_wait3A_182 : memref<10128x128xf32, #tpu.memory_space<hbm>>) dst(%arg9 : memref<128x128xf32, #tpu.memory_space<vmem>>)
    %run_scoped3A_183 = arith.constant 79 : i32
    "tpu.region"() ({
      %run_scoped3A_190 = tpu.sem_alloc : memref<!tpu.dma_semaphore, #tpu.memory_space<semaphore_mem>>
      %dma_start3A_191 = arith.constant 0 : i32
      %dma_start3A_192 = tpu.memref_slice %arg7[%run_scoped3A_183, %dma_start3A_191] : memref<80x128xi32, #tpu.memory_space<vmem>> -> memref<1x128xi32, #tpu.memory_space<vmem>>
      %dma_start3A_193 = tpu.memref_squeeze %dma_start3A_192 : memref<1x128xi32, #tpu.memory_space<vmem>> -> memref<128xi32, #tpu.memory_space<vmem>>
      %dma_start3A_194 = arith.constant 0 : i32
      %dma_start3A_195 = arith.constant 0 : i32
      %dma_start3A_196 = tpu.memref_slice %arg10[%dma_start3A_194, %dma_start3A_195] : memref<10000x128xf32, #tpu.memory_space<vmem_shared>> -> memref<10000x128xf32, #tpu.memory_space<vmem_shared>>
      tpu.enqueue_indirect_dma source(%arg9 : memref<128x128xf32, #tpu.memory_space<vmem>>) target(%dma_start3A_196 : memref<10000x128xf32, #tpu.memory_space<vmem_shared>>) offsets(%dma_start3A_193 : memref<128xi32, #tpu.memory_space<vmem>>) semaphore(%run_scoped3A_190 : memref<!tpu.dma_semaphore, #tpu.memory_space<semaphore_mem>>) {add = true}
      %dma_wait3A_197 = arith.constant 0 : i32
      %dma_wait3A_198 = tpu.memref_slice %arg7[%run_scoped3A_183, %dma_wait3A_197] : memref<80x128xi32, #tpu.memory_space<vmem>> -> memref<1x128xi32, #tpu.memory_space<vmem>>
      %dma_wait3A_199 = tpu.memref_squeeze %dma_wait3A_198 : memref<1x128xi32, #tpu.memory_space<vmem>> -> memref<128xi32, #tpu.memory_space<vmem>>
      %dma_wait3A_200 = arith.constant 0 : i32
      %dma_wait3A_201 = arith.constant 0 : i32
      %dma_wait3A_202 = tpu.memref_slice %arg10[%dma_wait3A_200, %dma_wait3A_201] : memref<10000x128xf32, #tpu.memory_space<vmem_shared>> -> memref<10000x128xf32, #tpu.memory_space<vmem_shared>>
      tpu.wait_indirect_dma semaphore(%run_scoped3A_190 : memref<!tpu.dma_semaphore, #tpu.memory_space<semaphore_mem>>) src(%arg9 : memref<128x128xf32, #tpu.memory_space<vmem>>) dst(%dma_wait3A_202 : memref<10000x128xf32, #tpu.memory_space<vmem_shared>>)
      tpu.yield
    }) : () -> ()
    %barrier3A_184 = arith.constant 0 : index
    tpu.barrier barrier_id(%barrier3A_184)
    "tpu.region"() ({
      %run_scoped3A_190 = tpu.sem_alloc : memref<!tpu.dma_semaphore, #tpu.memory_space<semaphore_mem>>
      %dma_start3A_191 = arith.constant 0 : i32
      %dma_start3A_192 = tpu.memref_slice %arg5[%arg0, %mul3A_2, %dma_start3A_191] : memref<2x10000x128xf32, #tpu.memory_space<hbm>> -> memref<1x624x128xf32, #tpu.memory_space<hbm>>
      %dma_start3A_193 = tpu.memref_squeeze %dma_start3A_192 : memref<1x624x128xf32, #tpu.memory_space<hbm>> -> memref<624x128xf32, #tpu.memory_space<hbm>>
      %dma_start3A_194 = arith.constant 0 : i32
      %dma_start3A_195 = tpu.memref_slice %arg10[%mul3A_2, %dma_start3A_194] : memref<10000x128xf32, #tpu.memory_space<vmem_shared>> -> memref<624x128xf32, #tpu.memory_space<vmem_shared>>
      tpu.enqueue_dma source(%dma_start3A_195 : memref<624x128xf32, #tpu.memory_space<vmem_shared>>) target(%dma_start3A_193 : memref<624x128xf32, #tpu.memory_space<hbm>>) target_semaphore(%run_scoped3A_190 : memref<!tpu.dma_semaphore, #tpu.memory_space<semaphore_mem>>)
      %dma_wait3A_196 = arith.constant 0 : i32
      %dma_wait3A_197 = tpu.memref_slice %arg5[%arg0, %mul3A_2, %dma_wait3A_196] : memref<2x10000x128xf32, #tpu.memory_space<hbm>> -> memref<1x624x128xf32, #tpu.memory_space<hbm>>
      %dma_wait3A_198 = tpu.memref_squeeze %dma_wait3A_197 : memref<1x624x128xf32, #tpu.memory_space<hbm>> -> memref<624x128xf32, #tpu.memory_space<hbm>>
      %dma_wait3A_199 = arith.constant 0 : i32
      %dma_wait3A_200 = tpu.memref_slice %arg10[%mul3A_2, %dma_wait3A_199] : memref<10000x128xf32, #tpu.memory_space<vmem_shared>> -> memref<624x128xf32, #tpu.memory_space<vmem_shared>>
      tpu.wait_dma2 semaphore(%run_scoped3A_190 : memref<!tpu.dma_semaphore, #tpu.memory_space<semaphore_mem>>) src(%dma_wait3A_200 : memref<624x128xf32, #tpu.memory_space<vmem_shared>>) dst(%dma_wait3A_198 : memref<624x128xf32, #tpu.memory_space<hbm>>)
      tpu.yield
    }) : () -> ()
    %eq3A_185 = arith.constant 15 : i32
    %eq3A_186 = arith.cmpi eq, %arg1, %eq3A_185 : i32
    %convert_element_type3A_187 = arith.extui %eq3A_186 : i1 to i32
    %cond3A_188 = arith.constant 0 : i32
    %cond3A_189 = arith.cmpi ne, %convert_element_type3A_187, %cond3A_188 : i32
    scf.if %cond3A_189 {
      "tpu.region"() ({
        %run_scoped3A_190 = tpu.sem_alloc : memref<!tpu.dma_semaphore, #tpu.memory_space<semaphore_mem>>
        %dma_start3A_191 = arith.constant 9984 : i32
        %dma_start3A_192 = arith.constant 0 : i32
        %dma_start3A_193 = tpu.memref_slice %arg5[%arg0, %dma_start3A_191, %dma_start3A_192] : memref<2x10000x128xf32, #tpu.memory_space<hbm>> -> memref<1x16x128xf32, #tpu.memory_space<hbm>>
        %dma_start3A_194 = tpu.memref_squeeze %dma_start3A_193 : memref<1x16x128xf32, #tpu.memory_space<hbm>> -> memref<16x128xf32, #tpu.memory_space<hbm>>
        %dma_start3A_195 = arith.constant 9984 : i32
        %dma_start3A_196 = arith.constant 0 : i32
        %dma_start3A_197 = tpu.memref_slice %arg10[%dma_start3A_195, %dma_start3A_196] : memref<10000x128xf32, #tpu.memory_space<vmem_shared>> -> memref<16x128xf32, #tpu.memory_space<vmem_shared>>
        tpu.enqueue_dma source(%dma_start3A_197 : memref<16x128xf32, #tpu.memory_space<vmem_shared>>) target(%dma_start3A_194 : memref<16x128xf32, #tpu.memory_space<hbm>>) target_semaphore(%run_scoped3A_190 : memref<!tpu.dma_semaphore, #tpu.memory_space<semaphore_mem>>)
        %dma_wait3A_198 = arith.constant 9984 : i32
        %dma_wait3A_199 = arith.constant 0 : i32
        %dma_wait3A_200 = tpu.memref_slice %arg5[%arg0, %dma_wait3A_198, %dma_wait3A_199] : memref<2x10000x128xf32, #tpu.memory_space<hbm>> -> memref<1x16x128xf32, #tpu.memory_space<hbm>>
        %dma_wait3A_201 = tpu.memref_squeeze %dma_wait3A_200 : memref<1x16x128xf32, #tpu.memory_space<hbm>> -> memref<16x128xf32, #tpu.memory_space<hbm>>
        %dma_wait3A_202 = arith.constant 9984 : i32
        %dma_wait3A_203 = arith.constant 0 : i32
        %dma_wait3A_204 = tpu.memref_slice %arg10[%dma_wait3A_202, %dma_wait3A_203] : memref<10000x128xf32, #tpu.memory_space<vmem_shared>> -> memref<16x128xf32, #tpu.memory_space<vmem_shared>>
        tpu.wait_dma2 semaphore(%run_scoped3A_190 : memref<!tpu.dma_semaphore, #tpu.memory_space<semaphore_mem>>) src(%dma_wait3A_204 : memref<16x128xf32, #tpu.memory_space<vmem_shared>>) dst(%dma_wait3A_201 : memref<16x128xf32, #tpu.memory_space<hbm>>)
        tpu.yield
      }) : () -> ()
    } else {
    }
    return
  }
}

module attributes {stable_mosaic.version = 14 : i64} {
  func.func @_tc_mlp_body(%arg0: memref<10000x128xf32, #tpu.memory_space<vmem>>, %arg1: memref<10000x128xf32, #tpu.memory_space<vmem>>, %arg2: memref<10000x128xf32, #tpu.memory_space<vmem>>, %arg3: memref<1x1xf32, #tpu.memory_space<smem>>, %arg4: memref<128x128xf32, #tpu.memory_space<vmem>>, %arg5: memref<1x128xf32, #tpu.memory_space<vmem>>, %arg6: memref<1x128xf32, #tpu.memory_space<vmem>>, %arg7: memref<1x128xf32, #tpu.memory_space<vmem>>, %arg8: memref<128x40xf32, #tpu.memory_space<vmem>>, %arg9: memref<1x40xf32, #tpu.memory_space<vmem>>, %arg10: memref<10000x40xf32, #tpu.memory_space<vmem>>) attributes {dimension_semantics = [], scalar_prefetch = 0 : i64, scratch_operands = 0 : i64, tpu.core_type = #tpu.core_type<tc>} {
    %get3A = arith.constant 0 : index
    %get3A_0 = arith.constant 0 : index
    %get3A_1 = memref.load %arg3[%get3A, %get3A_0] : memref<1x1xf32, #tpu.memory_space<smem>>
    %add3A = arith.constant 1.000000e+00 : f32
    %add3A_2 = arith.addf %add3A, %get3A_1 : f32
    %get3A_3 = arith.constant 0 : index
    %get3A_4 = arith.constant 0 : index
    %get3A_5 = vector.load %arg0[%get3A_3, %get3A_4] : memref<10000x128xf32, #tpu.memory_space<vmem>>, vector<10000x128xf32>
    %mul3A = vector.broadcast %add3A_2 : f32 to vector<10000x128xf32>
    %mul3A_6 = arith.mulf %mul3A, %get3A_5 : vector<10000x128xf32>
    %get3A_7 = arith.constant 0 : index
    %get3A_8 = arith.constant 0 : index
    %get3A_9 = vector.load %arg1[%get3A_7, %get3A_8] : memref<10000x128xf32, #tpu.memory_space<vmem>>, vector<10000x128xf32>
    %add3A_10 = arith.addf %mul3A_6, %get3A_9 : vector<10000x128xf32>
    %get3A_11 = arith.constant 0 : index
    %get3A_12 = arith.constant 0 : index
    %get3A_13 = vector.load %arg2[%get3A_11, %get3A_12] : memref<10000x128xf32, #tpu.memory_space<vmem>>, vector<10000x128xf32>
    %add3A_14 = arith.addf %add3A_10, %get3A_13 : vector<10000x128xf32>
    %get3A_15 = arith.constant 0 : index
    %get3A_16 = arith.constant 0 : index
    %get3A_17 = vector.load %arg4[%get3A_15, %get3A_16] : memref<128x128xf32, #tpu.memory_space<vmem>>, vector<128x128xf32>
    %dot_general3A = arith.constant dense<0.000000e+00> : vector<10000x128xf32>
    %dot_general3A_18 = tpu.matmul %add3A_14, %get3A_17, %dot_general3A {dimension_numbers = #tpu.dot_dimension_numbers<[1], [0], [0], [1], [0, 0, 1, 1], [], []>, transpose_lhs_hint = false} : vector<10000x128xf32>, vector<128x128xf32>, vector<10000x128xf32> -> vector<10000x128xf32>
    %get3A_19 = arith.constant 0 : index
    %get3A_20 = arith.constant 0 : index
    %get3A_21 = vector.load %arg5[%get3A_19, %get3A_20] : memref<1x128xf32, #tpu.memory_space<vmem>>, vector<1x128xf32>
    %add3A_22 = vector.broadcast %get3A_21 : vector<1x128xf32> to vector<10000x128xf32>
    %add3A_23 = arith.addf %dot_general3A_18, %add3A_22 : vector<10000x128xf32>
    %max3A = arith.constant 0.000000e+00 : f32
    %max3A_24 = vector.broadcast %max3A : f32 to vector<10000x128xf32>
    %max3A_25 = arith.maximumf %add3A_23, %max3A_24 : vector<10000x128xf32>
    %reduce_sum3A = arith.constant dense<0.000000e+00> : vector<128xf32>
    %reduce_sum3A_26 = vector.multi_reduction <add>, %max3A_25, %reduce_sum3A [0] : vector<10000x128xf32> to vector<128xf32>
    %broadcast_in_dim3A = vector.shape_cast %reduce_sum3A_26 : vector<128xf32> to vector<1x128xf32>
    %div3A = arith.constant 1.000000e+04 : f32
    %div3A_27 = vector.broadcast %div3A : f32 to vector<1x128xf32>
    %div3A_28 = arith.divf %broadcast_in_dim3A, %div3A_27 : vector<1x128xf32>
    %sub3A = vector.broadcast %div3A_28 : vector<1x128xf32> to vector<10000x128xf32>
    %sub3A_29 = arith.subf %max3A_25, %sub3A : vector<10000x128xf32>
    %square3A = arith.mulf %sub3A_29, %sub3A_29 : vector<10000x128xf32>
    %reduce_sum3A_30 = arith.constant dense<0.000000e+00> : vector<128xf32>
    %reduce_sum3A_31 = vector.multi_reduction <add>, %square3A, %reduce_sum3A_30 [0] : vector<10000x128xf32> to vector<128xf32>
    %broadcast_in_dim3A_32 = vector.shape_cast %reduce_sum3A_31 : vector<128xf32> to vector<1x128xf32>
    %div3A_33 = arith.constant 1.000000e+04 : f32
    %div3A_34 = vector.broadcast %div3A_33 : f32 to vector<1x128xf32>
    %div3A_35 = arith.divf %broadcast_in_dim3A_32, %div3A_34 : vector<1x128xf32>
    %sub3A_36 = vector.broadcast %div3A_28 : vector<1x128xf32> to vector<10000x128xf32>
    %sub3A_37 = arith.subf %max3A_25, %sub3A_36 : vector<10000x128xf32>
    %add3A_38 = arith.constant 9.99999974E-6 : f32
    %add3A_39 = vector.broadcast %add3A_38 : f32 to vector<1x128xf32>
    %add3A_40 = arith.addf %div3A_35, %add3A_39 : vector<1x128xf32>
    %rsqrt3A = math.rsqrt %add3A_40 : vector<1x128xf32>
    %mul3A_41 = vector.broadcast %rsqrt3A : vector<1x128xf32> to vector<10000x128xf32>
    %mul3A_42 = arith.mulf %sub3A_37, %mul3A_41 : vector<10000x128xf32>
    %get3A_43 = arith.constant 0 : index
    %get3A_44 = arith.constant 0 : index
    %get3A_45 = vector.load %arg6[%get3A_43, %get3A_44] : memref<1x128xf32, #tpu.memory_space<vmem>>, vector<1x128xf32>
    %mul3A_46 = vector.broadcast %get3A_45 : vector<1x128xf32> to vector<10000x128xf32>
    %mul3A_47 = arith.mulf %mul3A_42, %mul3A_46 : vector<10000x128xf32>
    %get3A_48 = arith.constant 0 : index
    %get3A_49 = arith.constant 0 : index
    %get3A_50 = vector.load %arg7[%get3A_48, %get3A_49] : memref<1x128xf32, #tpu.memory_space<vmem>>, vector<1x128xf32>
    %add3A_51 = vector.broadcast %get3A_50 : vector<1x128xf32> to vector<10000x128xf32>
    %add3A_52 = arith.addf %mul3A_47, %add3A_51 : vector<10000x128xf32>
    %get3A_53 = arith.constant 0 : index
    %get3A_54 = arith.constant 0 : index
    %get3A_55 = vector.load %arg8[%get3A_53, %get3A_54] : memref<128x40xf32, #tpu.memory_space<vmem>>, vector<128x40xf32>
    %dot_general3A_56 = arith.constant dense<0.000000e+00> : vector<10000x40xf32>
    %dot_general3A_57 = tpu.matmul %add3A_52, %get3A_55, %dot_general3A_56 {dimension_numbers = #tpu.dot_dimension_numbers<[1], [0], [0], [1], [0, 0, 1, 1], [], []>, transpose_lhs_hint = false} : vector<10000x128xf32>, vector<128x40xf32>, vector<10000x40xf32> -> vector<10000x40xf32>
    %get3A_58 = arith.constant 0 : index
    %get3A_59 = arith.constant 0 : index
    %get3A_60 = vector.load %arg9[%get3A_58, %get3A_59] : memref<1x40xf32, #tpu.memory_space<vmem>>, vector<1x40xf32>
    %add3A_61 = vector.broadcast %get3A_60 : vector<1x40xf32> to vector<10000x40xf32>
    %add3A_62 = arith.addf %dot_general3A_57, %add3A_61 : vector<10000x40xf32>
    %reduce_max3A = arith.constant dense<0xFF800000> : vector<10000xf32>
    %reduce_max3A_63 = vector.multi_reduction <maximumf>, %add3A_62, %reduce_max3A [1] : vector<10000x40xf32> to vector<10000xf32>
    %broadcast_in_dim3A_64 = vector.shape_cast %reduce_max3A_63 : vector<10000xf32> to vector<10000x1xf32>
    %sub3A_65 = vector.broadcast %broadcast_in_dim3A_64 : vector<10000x1xf32> to vector<10000x40xf32>
    %sub3A_66 = arith.subf %add3A_62, %sub3A_65 : vector<10000x40xf32>
    %exp3A = math.exp %sub3A_66 : vector<10000x40xf32>
    %reduce_sum3A_67 = arith.constant dense<0.000000e+00> : vector<10000xf32>
    %reduce_sum3A_68 = vector.multi_reduction <add>, %exp3A, %reduce_sum3A_67 [1] : vector<10000x40xf32> to vector<10000xf32>
    %broadcast_in_dim3A_69 = vector.shape_cast %reduce_sum3A_68 : vector<10000xf32> to vector<10000x1xf32>
    %log3A = math.log %broadcast_in_dim3A_69 : vector<10000x1xf32>
    %add3A_70 = arith.addf %broadcast_in_dim3A_64, %log3A : vector<10000x1xf32>
    %sub3A_71 = vector.broadcast %add3A_70 : vector<10000x1xf32> to vector<10000x40xf32>
    %sub3A_72 = arith.subf %add3A_62, %sub3A_71 : vector<10000x40xf32>
    %swap3A = arith.constant 0 : index
    %swap3A_73 = arith.constant 0 : index
    %swap3A_74 = vector.load %arg10[%swap3A, %swap3A_73] : memref<10000x40xf32, #tpu.memory_space<vmem>>, vector<10000x40xf32>
    tpu.vector_store %arg10[%swap3A, %swap3A_73], %sub3A_72 {strides = array<i32>} : memref<10000x40xf32, #tpu.memory_space<vmem>>, vector<10000x40xf32>,
    return
  }
}

</mosaic_0001>

<sc_bundles>
// kernel: kernel.4.cloned.1.call-start
scs
__scs_entry_jumppad:
0x0: {  	(pc) =	sbr.rel $0x88, $3  }
0x1: {  	(tag) =	ssettag $0x0;
	lr =	simm.s32 $0x1  }
0x2: {  	[smem:$0x3F98] =	sst lr;
	_ =	strace $0xD0000000  }
0x3: {  	_ = 	snop  }
0x4: {  	_ = 	snop  }
0x5: {  	_ = 	snop  }
0x6: {  	_ = 	snop  }
0x7: {  	_ = 	snop  }
__scs_overlays_trampoline_lowered:
0x8: {  	[smem:$0x3FA7] =	sst s0  }
0x9: {  	[smem:$0x3FA8] =	sst s1  }
0xa: {  	[smem:$0x3FA9] =	sst s2  }
0xb: {  	[smem:$0x3FAA] =	sst s3  }
0xc: {  	[smem:$0x3FAB] =	sst s4  }
0xd: {  	[smem:$0x3FAC] =	sst s5  }
0xe: {  	[smem:$0x3FAD] =	sst s6  }
0xf: {  	[smem:$0x3FAE] =	sst s7  }
0x10: {  	[smem:$0x3FAF] =	sst s8  }
0x11: {  	[smem:$0x3FB0] =	sst s9;
	s0 =	simm.s32 @!p0 $0x0  }
0x12: {  	s1 =	sld [smem:$0x3F96];
	s0 =	simm.s32 @p0 $0x1  }
0x13: {  	[smem:$0x3FB1] =	sst s0;
	s0 =	simm.s32 @!p1 $0x0  }
0x14: {  	s2 =	sld [smem:$0x3F95];
	s0 =	simm.s32 @p1 $0x1  }
0x15: {  	[smem:$0x3FB2] =	sst s0;
	s0 =	simm.s32 @!p2 $0x0  }
0x16: {  	s3 =	sld [smem:$0x3FDB];
	s0 =	simm.s32 @p2 $0x1  }
0x17: {  	s4 =	simm.s32 $0x1BF5;
	[smem:$0x3FB4] =	sst s0  }
0x18: {  	s0 =	sld [smem:$0x3F97];
	_ =	swait.ge [sflag:s4], $0x0  }
0x19: {  	s7 =	sld [smem:$0x3F98]  }
0x1a: {  	s8 =	sadd.s32 $0xFFFFE003, lr  }
0x1b: {  	s9 =	sadd.s32 $0xFFFFFEF7, lr;
	s5 =	simm.s32 $0xFFFFFFFF;
	p2 =	slt.u32 s8, $0xFFFFF086  }
0x1c: {  	p1 =	slt.u32 s9, $0xF7A;
	s5 =	simm.s32 @!p2 $0x0  }
0x1d: {  	s5 =	simm.s32 @p1 $0x1;
	p0 =	seq.s32 s7, s2  }
0x1e: {  	s7 =	smul.u32 @!p0 $0xF7A, s2;
	p2 =	seq.s32 @!p0 s5, $0x0  }
0x1f: {  	s9 =	smul.u32 $0xF7A, s1;
	s8 =	simm.s32 @!p0 $0x1BF5;
	p2 =	por !p2, p0  }
0x20: {  	[sflag:s8] =	ssyncset.s32 @!p0 $0xFFFFF086;
	s6 =	sadd.s32 @!p0 s3, s7;
	s7 =	simm.s32 @!p0 $0x108  }
0x21: {  	s3 =	sadd.s32 s3, s9;
	s6 =	sadd.s32 @!p0 $0x88, s6;
	s7 =	simm.s32 @p2 $0x1082  }
0x22: {  	[simem:s7], [sflag:s8] =	dma.local @!p0 [hbm:s6], $0xF7A  }
0x23: {  	s9 =	sor.u32 $0xD0000000, s2;
	s6 =	simm.s32 $0x108;
	_ =	swait.ge @!p0 [sflag:s8], $0x0  }
0x24: {  	s3 =	sadd.s32 $0x88, s3;
	s6 =	simm.s32 @!p1 $0x1082;
	[sflag:s4] =	ssyncset.s32 $0xFFFFF086  }
0x25: {  	[simem:s6], [sflag:s4] =	dma.local [hbm:s3], $0xF7A  }
0x26: {  	[smem:$0x3F98] =	sst s1;
	(tag) =	ssettag s2;
	_ =	strace s9  }
0x27: {  	s1 =	sld [smem:$0x3FA8]  }
0x28: {  	s2 =	sld [smem:$0x3FA9]  }
0x29: {  	s4 =	sld [smem:$0x3FAB]  }
0x2a: {  	p0 =	seq.s32 s5, $0x0;
	s5 =	sld [smem:$0x3FAC]  }
0x2b: {  	s6 =	sld [smem:$0x3FAD]  }
0x2c: {  	s7 =	sld [smem:$0x3FAE]  }
0x2d: {  	s3 =	simm.s32 $0x108;
	s8 =	sld [smem:$0x3FAF]  }
0x2e: {  	s3 =	simm.s32 @!p0 $0x1082;
	s9 =	sld [smem:$0x3FB0]  }
0x2f: {  	lr =	sadd.s32 s0, s3;
	s0 =	sld [smem:$0x3FA7]  }
0x30: {  	s3 =	sld [smem:$0x3FAA]  }
0x31: {  	[smem:$0x3FB3] =	sst s10  }
0x32: {  	s10 =	sld [smem:$0x3FB1];
	_ =	sdelay $0x3  }
0x33: {  	p0 =	seq.s32 s10, $0x1;
	s10 =	sld [smem:$0x3FB3];
	_ =	sdelay $0x3  }
0x34: {  	[smem:$0x3FB3] =	sst s10  }
0x35: {  	s10 =	sld [smem:$0x3FB2];
	_ =	sdelay $0x3  }
0x36: {  	p1 =	seq.s32 s10, $0x1;
	s10 =	sld [smem:$0x3FB3];
	_ =	sdelay $0x3  }
0x37: {  	[smem:$0x3FB3] =	sst s10  }
0x38: {  	s10 =	sld [smem:$0x3FB4]  }
0x39: {  	_ = 	snop;
	(pc) =	sbr.ind lr, $3  }
0x3a: {  	_ = 	snop  }
0x3b: {  	_ = 	snop  }
0x3c: {  	p2 =	seq.s32 s10, $0x1;
	s10 =	sld [smem:$0x3FB3]  }
0x3d: {  	_ =	shalt  }
0x3e: {  	_ =	shalt  }
0x3f: {  	_ =	shalt  }
0x40: {  	_ =	shalt  }
0x41: {  	_ =	shalt  }
0x42: {  	_ =	shalt  }
0x43: {  	_ =	shalt  }
0x44: {  	_ =	shalt  }
0x45: {  	_ =	shalt  }
0x46: {  	_ =	shalt  }
0x47: {  	_ =	shalt  }
0x48: {  	_ =	shalt  }
0x49: {  	_ =	shalt  }
0x4a: {  	_ =	shalt  }
0x4b: {  	_ =	shalt  }
0x4c: {  	_ =	shalt  }
0x4d: {  	_ =	shalt  }
0x4e: {  	_ =	shalt  }
0x4f: {  	_ =	shalt  }
0x50: {  	_ =	shalt  }
0x51: {  	_ =	shalt  }
0x52: {  	_ =	shalt  }
0x53: {  	_ =	shalt  }
0x54: {  	_ =	shalt  }
0x55: {  	_ =	shalt  }
0x56: {  	_ =	shalt  }
0x57: {  	_ =	shalt  }
0x58: {  	_ =	shalt  }
0x59: {  	_ =	shalt  }
0x5a: {  	_ =	shalt  }
0x5b: {  	_ =	shalt  }
0x5c: {  	_ =	shalt  }
0x5d: {  	_ =	shalt  }
0x5e: {  	_ =	shalt  }
0x5f: {  	_ =	shalt  }
0x60: {  	_ =	shalt  }
0x61: {  	_ =	shalt  }
0x62: {  	_ =	shalt  }
0x63: {  	_ =	shalt  }
0x64: {  	_ =	shalt  }
0x65: {  	_ =	shalt  }
0x66: {  	_ =	shalt  }
0x67: {  	_ =	shalt  }
0x68: {  	_ =	shalt  }
0x69: {  	_ =	shalt  }
0x6a: {  	_ =	shalt  }
0x6b: {  	_ =	shalt  }
0x6c: {  	_ =	shalt  }
0x6d: {  	_ =	shalt  }
0x6e: {  	_ =	shalt  }
0x6f: {  	_ =	shalt  }
0x70: {  	_ =	shalt  }
0x71: {  	_ =	shalt  }
0x72: {  	_ =	shalt  }
0x73: {  	_ =	shalt  }
0x74: {  	_ =	shalt  }
0x75: {  	_ =	shalt  }
0x76: {  	_ =	shalt  }
0x77: {  	_ =	shalt  }
0x78: {  	_ =	shalt  }
0x79: {  	_ =	shalt  }
0x7a: {  	_ =	shalt  }
0x7b: {  	_ =	shalt  }
0x7c: {  	_ =	shalt  }
0x7d: {  	_ =	shalt  }
0x7e: {  	_ =	shalt  }
0x7f: {  	_ =	shalt  }
0x80: {  	_ =	shalt  }
0x81: {  	_ =	shalt  }
0x82: {  	_ =	shalt  }
0x83: {  	_ =	shalt  }
0x84: {  	_ =	shalt  }
0x85: {  	_ =	shalt  }
0x86: {  	_ =	shalt  }
0x87: {  	_ =	shalt  }
.Lfunc_end0:
.L_simem_size_0:
called_computation_lowered:
.L_overlay_start_0:
0x88: {  	s2 =	sld [smem:$0x3FD9]  }
0x89: {  	s3 =	sld [smem:$0x3FFE];
	_ =	sdelay $0x1  }
0x8a: {  	s1 =	srdreg.scid  }
0x8b: {  	s0 =	sand.u32 $0x1, s1  }
0x8c: {  	s17 =	sshll.u32 s0, $0xA;
	s2 =	sadd.s32 s3, s2  }
0x8d: {  	s2 =	sadd.s32 s2, s17  }
0x8e: {  	[smem:$0x3FBF] =	sst s2  }
0x8f: {  	_ = 	snop  }
0x90: {  	s2 =	sld [smem:$0x3FD0];
	(tm) =	ssettm $0x1  }
0x91: {  	s18 =	sld [smem:$0x3FFB];
	_ =	sdelay $0x3  }
0x92: {  	_ =	strace s18  }
0x93: {  	s3 =	sld [smem:$0x3FFC];
	_ =	sdelay $0x3  }
0x94: {  	_ =	strace s3  }
0x95: {  	s3 =	sld [smem:$0x3FFD];
	_ =	sdelay $0x3  }
0x96: {  	_ =	strace s3  }
0x97: {  	_ =	strace $0x8FFFFFFF  }
0x98: {  	s19 =	sld [smem:$0x3FDB];
	_ =	sdelay $0x1  }
0x99: {  	s4 =	simm.s32 $_scs_section_size  }
0x9a: {  	s5 =	simm.s32 $_size__tile_overlayer_lowered;
	s6 =	simm.s32 $_tile_overlayer_lowered  }
0x9b: {  	s22 =	simm.s32 $0x1BFF;
	s21 =	sshll.u32 s6, $0x1;
	s3 =	sadd.s32 s4, s19  }
0x9c: {  	s7 =	simm.s32 $0x0;
	s20 =	sshll.u32 s5, $0x1;
	s5 =	sadd.s32 s21, s3  }
0x9d: {  	[timem:s7], [sflag:s22] =	dma.local [hbm:s5], s20  }
0x9e: {  	_ =	swait.ge [sflag:s22], s20  }
0x9f: {  	s4 =	ssub.s32 $0x0, s20;
	[sflag:s22] =	ssyncset.done $0x0  }
0xa0: {  	[sflag:s22] =	ssyncadd.s32 s4;
	_ =	sdelay $0x1  }
0xa1: {  	s23 =	simm.s32 $0x1B8B  }
0xa2: {  	_ =	swait.ge [sflag:s23], $0x1  }
0xa3: {  	[sflag:s23] =	ssyncset.done $0x0  }
0xa4: {  	s25 =	simm.s32 $0x1B8E;
	s24 =	sld [smem:$0x3FFE];
	[sflag:s23] =	ssyncadd.s32 $0xFFFFFFFF  }
0xa5: {  	s26 =	simm.s32 $execute0_lowered;
	[smem:$0x3FD2] =	sst s25  }
0xa6: {  	s5 =	sshll.u32 s26, $0x1;
	_ =	strace $0x80000046;
	[dreg:$0x1] =	wrdreg $0xFFFFFFFF  }
0xa7: {  	s28 =	simm.s32 $_size_execute0_lowered;
	s3 =	sadd.s32 s3, s5;
	[dreg:$0x0] =	wrdreg $0x0  }
0xa8: {  	s5 =	sshll.u32 s28, $0x1;
	[dreg:$0x2] =	wrdreg s3  }
0xa9: {  	[dreg:$0x3] =	wrdreg s5  }
0xaa: {  	[dreg:$0x4] =	wrdreg $0xC0  }
0xab: {  	_ =	task [dreg:s7], $0x5FFFF  }
0xac: {  	[dreg:$0x1] =	wrdreg $0xFFFFFFFF  }
0xad: {  	[dreg:$0x0] =	wrdreg $0x60  }
0xae: {  	[dreg:$0x2] =	wrdreg s24  }
0xaf: {  	[dreg:$0x3] =	wrdreg s2  }
0xb0: {  	[dreg:$0x4] =	wrdreg $0xBC000  }
0xb1: {  	[dreg:$0x5] =	wrdreg $0x9  }
0xb2: {  	_ =	task.clear_ibuf [dreg:s7], $0x6FFFF;
	_ =	strace $0x90000046  }
0xb3: {  	s29 =	simm.s32 $0x9;
	_ =	strace $0x80000048  }
0xb4: {  	_ =	swait.ge [sflag:s29], $0x1  }
0xb5: {  	[sflag:s29] =	ssyncadd.s32 $0xFFFFFFFF  }
0xb6: {  	_ =	strace $0x90000048  }
0xb7: {  	_ =	sfence  }
0xb8: {  	s30 =	sld [smem:$0x0];
	_ =	sdelay $0x2  }
0xb9: {  	s31 =	sshll.u32 s1, $0xD;
	s1 =	sshrl.u32 s1, $0x2  }
0xba: {  	s3 =	sand.u32 $0x4000, s31;
	s1 =	sadd.s32 s1, s30  }
0xbb: {  	s0 =	sor.u32 s3, s0;
	s1 =	sshll.u32 s1, $0x11  }
0xbc: {  	s0 =	sor.u32 s1, s0  }
0xbd: {  	s0 =	sadd.s32 $0x8F2B, s0  }
0xbe: {  	[sflag:s0] =	ssyncadd.remote.s32 $0x1  }
0xbf: {  	_ =	sfence.sel $0xFFFF  }
0xc0: {  	[dreg:$0x0] =	wrdreg $0xFFFFFFFF;
	(pc) =	sbr.abs _section_cstart, $3  }
0xc1: {  	[dreg:$0x1] =	wrdreg $0xFFFFFFFF  }
0xc2: {  	_ =	task.clear_ibuf [dreg:s7], $0x2FFFF;
	_ =	strace $0x9FFFFFFF  }
0xc3: {  	(tm) =	ssettm $0x7FFFFFFF  }
tec
execute0_lowered:
.L_overlay_start_1:
0x0: {  	(tag) =	ssettag $0x1  }
0x1: {  	s1 =	rddreg [dreg:$0x0]  }
0x2: {  	s5 =	rddreg [dreg:$0x1];
	s3 =	srdreg.scid  }
0x3: {  	s0 =	stileid.u32;
	s2 =	rddreg [dreg:$0x2];
	s18 =	simm.s32 $0x3C00  }
0x4: {  	s19 =	simm.s32 $0x2;
	s20 =	simm.s32 $0x1;
	s21 =	simm.s32 $0x80  }
0x5: {  	s22 =	simm.s32 $0x7C00;
	s23 =	simm.s32 $0x3;
	s24 =	simm.s32 $0x1380  }
0x6: {  	s26 =	simm.s32 $0x2780;
	s28 =	simm.s32 $0x3B00;
	s29 =	simm.s32 $0x3B80  }
0x7: {  	s30 =	simm.s32 $0x0;
	s6 =	sand.u32 $0x1, s3;
	s10 =	smul.u32 $0x4E000, s0  }
0x8: {  	s4 =	sshll.u32 s0, $0x1;
	s3 =	simm.s32 $0x0;
	s13 =	smul.u32 $0x13800, s0  }
0x9: {  	p0 =	sne.s32 s0, $0xF;
	s4 =	sor.u32 s6, s4;
	s12 =	smul.u32 $0x138800, s6  }
0xa: {  	[smem:$0x7FF] =	sst s3;
	s8 =	ssub.s32 $0x2, s6;
	s7 =	smul.u32 $0x2800, s4  }
0xb: {  	_ =	strace $0x80000047;
	s4 =	sadd.s32 $0xB200, s1;
	s9 =	sshrl.u32 s8, $0x1  }
0xc: {  	s31 =	sshrl.u32 s10, $0x2;
	s16 =	ssub.s32 s8, s9;
	s13 =	sadd.s32 s13, s12  }
0xd: {  	s14 =	sshrl.u32 s12, $0x3;
	s12 =	sadd.s32 $0x138000, s2;
	s7 =	sshrl.u32 s7, $0x3  }
0xe: {  	s15 =	sshrl.u32 s13, $0x3;
	s16 =	smax.u32 s16, $0x1;
	s11 =	sadd.s32 s7, s1  }
0xf: {  	s1 =	sadd.s32 $0x32C00, s1;
	s5 =	sadd.s32 s5, s7;
	s7 =	sadd.s32 s31, s2  }
0x10: {  	s6 =	sadd.s32 $0x1200, s11;
	s8 =	sadd.s32 $0x4000, s7;
	s9 =	sadd.s32 $0x8000, s7  }
0x11: {  	s10 =	sadd.s32 $0xC000, s7;
	s11 =	sadd.s32 $0x10000, s7;
	s17 =	sadd.s32 s1, s14  }
0x12: {  	v0 =	vimm.f32 $0.0e+00;
	s13 =	sadd.s32 $0x280, s5;
	s14 =	sadd.s32 s1, s15;
	s15 =	sadd.s32 $0x27000, s17  }
.LBB2_1:
0x13: {  	[tilespmem:s3], [sflag:$0x1] =	stream.linear.gather [hbm4b:s5+s3], $0x1400, $0x38;
	[tilespmem:$0x1F480] =	vst v63  }
0x14: {  	s0 =	simm.s32 $0x1400;
	s31 =	simm.s32 $0x0;
	s1 =	simm.s32 $0x200  }
0x15: {  	[tilespmem:s0], [sflag:$0x2] =	stream.linear.gather [hbm4b:s6+s3], $0x2800, $0x38;
	[tilespmem:$0x1F480] =	vst v63  }
.LBB2_2:
0x16: {  	p1 =	sne.s32 s1, $0xFE00;
	[tilespmem:s31+$0x3C70] =	vst v0  }
0x17: {  	[tilespmem:s31+$0x3C00] =	vst v0  }
0x18: {  	[tilespmem:s31+$0x3C10] =	vst v0  }
.Ltmp0:
0x19: {  	[tilespmem:s31+$0x3C20] =	vst v0;
	(pc) =	sbr.rel @p1 .LBB2_2-.Ltmp0, $4  }
0x1a: {  	[tilespmem:s31+$0x3C30] =	vst v0  }
0x1b: {  	[tilespmem:s31+$0x3C40] =	vst v0  }
0x1c: {  	[tilespmem:s31+$0x3C50] =	vst v0  }
0x1d: {  	[tilespmem:s31+$0x3C60] =	vst v0;
	s31 =	sshra.s32 s1, $0x2;
	s1 =	sadd.s32 $0x200, s1  }
0x1e: {  	[tilespmem:s31+$0x3C70] =	vst v0  }
0x1f: {  	[tilespmem:s31+$0x3C00] =	vst v0  }
0x20: {  	[tilespmem:s31+$0x3C10] =	vst v0  }
0x21: {  	[tilespmem:s31+$0x3C20] =	vst v0  }
0x22: {  	[tilespmem:s31+$0x3C30] =	vst v0  }
0x23: {  	[tilespmem:s31+$0x3C40] =	vst v0  }
0x24: {  	[tilespmem:s31+$0x3C50] =	vst v0  }
0x25: {  	[tilespmem:s31+$0x3C60] =	vst v0  }
0x26: {  	[spmem:s7] =	stream.linear.scatter [tilespmem:s18], [sflag:$0x2], $0x4000, $0x38;
	[tilespmem:$0x1F480] =	vst v63  }
0x27: {  	_ = 	snop  }
0x28: {  	[spmem:s8] =	stream.linear.scatter [tilespmem:s18], [sflag:$0x2], $0x4000, $0x38;
	[tilespmem:$0x1F480] =	vst v63  }
0x29: {  	_ = 	snop  }
0x2a: {  	[spmem:s9] =	stream.linear.scatter [tilespmem:s18], [sflag:$0x2], $0x4000, $0x38;
	[tilespmem:$0x1F480] =	vst v63  }
0x2b: {  	_ = 	snop  }
0x2c: {  	[spmem:s10] =	stream.linear.scatter [tilespmem:s18], [sflag:$0x2], $0x4000, $0x38;
	[tilespmem:$0x1F480] =	vst v63  }
0x2d: {  	_ = 	snop  }
0x2e: {  	[spmem:s11] =	stream.linear.scatter [tilespmem:s18], [sflag:$0x2], $0x3800, $0x38;
	[tilespmem:$0x1F480] =	vst v63  }
0x2f: {  	s1 =	simm.s32 @!p0 $0x3C00  }
0x30: {  	[spmem:s12] =	stream.linear.scatter @!p0 [tilespmem:s1], [sflag:$0x3], $0x800, $0x38;
	[tilespmem:$0x1F480] =	vst v63  }
0x31: {  	s1 =	simm.s32 @!p0 $0x3  }
0x32: {  	_ =	swait.ge @!p0 [sflag:s1], $0x800  }
0x33: {  	[sflag:s1] =	ssyncset.done @!p0 $0x0  }
0x34: {  	[sflag:s1] =	ssyncadd.s32 @!p0 $0xFFFFF800  }
0x35: {  	_ =	swait.ge [sflag:s19], $0x4000  }
0x36: {  	[sflag:s19] =	ssyncset.done $0x0  }
0x37: {  	[sflag:s19] =	ssyncadd.s32 $0xFFFFC000  }
0x38: {  	_ =	swait.ge [sflag:s19], $0x4000  }
0x39: {  	[sflag:s19] =	ssyncset.done $0x0  }
0x3a: {  	[sflag:s19] =	ssyncadd.s32 $0xFFFFC000  }
0x3b: {  	_ =	swait.ge [sflag:s19], $0x4000  }
0x3c: {  	[sflag:s19] =	ssyncset.done $0x0  }
0x3d: {  	[sflag:s19] =	ssyncadd.s32 $0xFFFFC000  }
0x3e: {  	_ =	swait.ge [sflag:s19], $0x4000  }
0x3f: {  	[sflag:s19] =	ssyncset.done $0x0  }
0x40: {  	[sflag:s19] =	ssyncadd.s32 $0xFFFFC000  }
0x41: {  	_ =	swait.ge [sflag:s19], $0x3800  }
0x42: {  	[sflag:s19] =	ssyncset.done $0x0  }
0x43: {  	[sflag:s19] =	ssyncadd.s32 $0xFFFFC800  }
0x44: {  	_ =	swait.ge [sflag:s20], $0x1400  }
0x45: {  	[sflag:s20] =	ssyncset.done $0x0  }
0x46: {  	[sflag:s20] =	ssyncadd.s32 $0xFFFFEC00  }
0x47: {  	_ =	swait.ge [sflag:s19], $0x2800  }
0x48: {  	[sflag:s19] =	ssyncset.done $0x0  }
0x49: {  	[sflag:s19] =	ssyncadd.s32 $0xFFFFD800  }
0x4a: {  	s17 =	simm.s32 $0x0;
	[bflag:$0x0] =	sbarrier.arrive $0xFFFF  }
0x4b: {  	[tilespmem:s18], [sflag:$0x1] =	stream.indirect.gather [hbm4b:s4+s21], $0x80, s17, s21, $0xb8;
	[tilespmem:$0x1F480] =	vst v63  }
0x4c: {  	s25 =	simm.s32 $0x80  }
0x4d: {  	[tilespmem:s22], [sflag:$0x2] =	stream.indirect.gather [hbm4b:s4+s21], $0x80, s25, s21, $0xb8;
	[tilespmem:$0x1F480] =	vst v63  }
0x4e: {  	_ =	swait.ge [sflag:s20], $0x4000  }
0x4f: {  	[sflag:s20] =	ssyncset.done $0x0  }
0x50: {  	s0 =	simm.s32 $0x1400;
	[sflag:s20] =	ssyncadd.s32 $0xFFFFC000  }
0x51: {  	[spmem:s2] =	stream.indirect.scatter.add.f32 [tilespmem:s18], [sflag:$0x3], $0x80, s0, s21, $0xb8;
	[tilespmem:$0x1F480] =	vst v63  }
0x52: {  	_ =	swait.ge [sflag:s23], $0x4000  }
0x53: {  	[sflag:s23] =	ssyncset.done $0x0  }
0x54: {  	s17 =	simm.s32 $0x100;
	[sflag:s23] =	ssyncadd.s32 $0xFFFFC000  }
0x55: {  	[tilespmem:s18], [sflag:$0x1] =	stream.indirect.gather [hbm4b:s4+s21], $0x80, s17, s21, $0xb8;
	[tilespmem:$0x1F480] =	vst v63  }
0x56: {  	_ =	swait.ge [sflag:s19], $0x4000  }
0x57: {  	[sflag:s19] =	ssyncset.done $0x0  }
0x58: {  	s25 =	simm.s32 $0x1480;
	[sflag:s19] =	ssyncadd.s32 $0xFFFFC000  }
0x59: {  	[spmem:s2] =	stream.indirect.scatter.add.f32 [tilespmem:s22], [sflag:$0x3], $0x80, s25, s21, $0xb8;
	[tilespmem:$0x1F480] =	vst v63  }
0x5a: {  	_ =	swait.ge [sflag:s23], $0x4000  }
0x5b: {  	s31 =	simm.s32 $0x100;
	s1 =	simm.s32 $0x800;
	[sflag:s23] =	ssyncset.done $0x0  }
.LBB2_4:
0x5c: {  	s17 =	sadd.s32 $0x80, s31  }
0x5d: {  	[sflag:s23] =	ssyncadd.s32 $0xFFFFC000;
	s0 =	smov.u32 s1;
	s25 =	sadd.s32 $0x400, s1  }
0x5e: {  	[tilespmem:s22], [sflag:$0x2] =	stream.indirect.gather [hbm4b:s4+s21], $0x80, s17, s21, $0xb8;
	[tilespmem:$0x1F480] =	vst v63  }
0x5f: {  	p1 =	sne.s32 s1, $0x4800;
	_ =	swait.ge [sflag:s20], $0x4000  }
0x60: {  	[sflag:s20] =	ssyncset.done $0x0  }
0x61: {  	s1 =	sadd.s32 $0x1400, s31;
	[sflag:s20] =	ssyncadd.s32 $0xFFFFC000  }
0x62: {  	[spmem:s2] =	stream.indirect.scatter.add.f32 [tilespmem:s18], [sflag:$0x3], $0x80, s1, s21, $0xb8;
	[tilespmem:$0x1F480] =	vst v63  }
0x63: {  	_ =	swait.ge [sflag:s23], $0x4000  }
0x64: {  	[sflag:s23] =	ssyncset.done $0x0  }
0x65: {  	s1 =	sadd.s32 $0x100, s31;
	[sflag:s23] =	ssyncadd.s32 $0xFFFFC000  }
0x66: {  	[tilespmem:s18], [sflag:$0x1] =	stream.indirect.gather [hbm4b:s4+s21], $0x80, s1, s21, $0xb8;
	[tilespmem:$0x1F480] =	vst v63  }
0x67: {  	_ =	swait.ge [sflag:s19], $0x4000  }
.Ltmp1:
0x68: {  	[sflag:s19] =	ssyncset.done $0x0;
	(pc) =	sbr.rel @p1 .LBB2_4-.Ltmp1, $4  }
0x69: {  	s1 =	sadd.s32 $0x1480, s31;
	[sflag:s19] =	ssyncadd.s32 $0xFFFFC000  }
0x6a: {  	[spmem:s2] =	stream.indirect.scatter.add.f32 [tilespmem:s22], [sflag:$0x3], $0x80, s1, s21, $0xb8;
	[tilespmem:$0x1F480] =	vst v63  }
0x6b: {  	_ =	swait.ge [sflag:s23], $0x4000  }
0x6c: {  	s31 =	sshra.s32 s0, $0x2;
	s1 =	smov.u32 s25;
	[sflag:s23] =	ssyncset.done $0x0  }
0x6d: {  	s0 =	sadd.s32 $0x80, s31;
	[sflag:s23] =	ssyncadd.s32 $0xFFFFC000  }
0x6e: {  	[tilespmem:s22], [sflag:$0x2] =	stream.indirect.gather [hbm4b:s4+s21], $0x80, s0, s21, $0xb8;
	[tilespmem:$0x1F480] =	vst v63  }
0x6f: {  	_ =	swait.ge [sflag:s20], $0x4000  }
0x70: {  	[sflag:s20] =	ssyncset.done $0x0  }
0x71: {  	s17 =	sadd.s32 $0x1400, s31;
	[sflag:s20] =	ssyncadd.s32 $0xFFFFC000  }
0x72: {  	[spmem:s2] =	stream.indirect.scatter.add.f32 [tilespmem:s18], [sflag:$0x3], $0x80, s17, s21, $0xb8;
	[tilespmem:$0x1F480] =	vst v63  }
0x73: {  	_ =	swait.ge [sflag:s23], $0x4000  }
0x74: {  	[sflag:s23] =	ssyncset.done $0x0  }
0x75: {  	s25 =	sadd.s32 $0x100, s31;
	[sflag:s23] =	ssyncadd.s32 $0xFFFFC000  }
0x76: {  	[tilespmem:s18], [sflag:$0x1] =	stream.indirect.gather [hbm4b:s4+s21], $0x80, s25, s21, $0xb8;
	[tilespmem:$0x1F480] =	vst v63  }
0x77: {  	_ =	swait.ge [sflag:s19], $0x4000  }
0x78: {  	[sflag:s19] =	ssyncset.done $0x0  }
0x79: {  	s1 =	sadd.s32 $0x1480, s31;
	[sflag:s19] =	ssyncadd.s32 $0xFFFFC000  }
0x7a: {  	[spmem:s2] =	stream.indirect.scatter.add.f32 [tilespmem:s22], [sflag:$0x3], $0x80, s1, s21, $0xb8;
	[tilespmem:$0x1F480] =	vst v63  }
0x7b: {  	_ =	swait.ge [sflag:s23], $0x4000  }
0x7c: {  	[sflag:s23] =	ssyncset.done $0x0  }
0x7d: {  	[sflag:s23] =	ssyncadd.s32 $0xFFFFC000  }
0x7e: {  	[tilespmem:s22], [sflag:$0x2] =	stream.indirect.gather [hbm4b:s4+s21], $0x80, s24, s21, $0xb8;
	[tilespmem:$0x1F480] =	vst v63  }
0x7f: {  	_ =	swait.ge [sflag:s20], $0x4000  }
0x80: {  	[sflag:s20] =	ssyncset.done $0x0  }
0x81: {  	s17 =	simm.s32 $0x2700;
	[sflag:s20] =	ssyncadd.s32 $0xFFFFC000  }
0x82: {  	[spmem:s2] =	stream.indirect.scatter.add.f32 [tilespmem:s18], [sflag:$0x3], $0x80, s17, s21, $0xb8;
	[tilespmem:$0x1F480] =	vst v63  }
0x83: {  	_ =	swait.ge [sflag:s23], $0x4000  }
0x84: {  	[sflag:s23] =	ssyncset.done $0x0  }
0x85: {  	[sflag:s23] =	ssyncadd.s32 $0xFFFFC000  }
0x86: {  	_ =	swait.ge [sflag:s19], $0x4000  }
0x87: {  	[sflag:s19] =	ssyncset.done $0x0  }
0x88: {  	[sflag:s19] =	ssyncadd.s32 $0xFFFFC000  }
0x89: {  	[spmem:s2] =	stream.indirect.scatter.add.f32 [tilespmem:s22], [sflag:$0x3], $0x80, s26, s21, $0xb8;
	[tilespmem:$0x1F480] =	vst v63  }
0x8a: {  	_ =	swait.ge [sflag:s23], $0x4000  }
0x8b: {  	[sflag:s23] =	ssyncset.done $0x0  }
0x8c: {  	[sflag:s23] =	ssyncadd.s32 $0xFFFFC000  }
0x8d: {  	[tilespmem:s3], [sflag:$0x3] =	stream.linear.gather [hbm4b:s13+s3], $0x1400, $0x38;
	[tilespmem:$0x1F480] =	vst v63  }
0x8e: {  	_ =	swait.ge [sflag:s23], $0x1400  }
0x8f: {  	[sflag:s23] =	ssyncset.done $0x0  }
0x90: {  	[sflag:s23] =	ssyncadd.s32 $0xFFFFEC00  }
0x91: {  	[tilespmem:s18], [sflag:$0x1] =	stream.indirect.gather [hbm4b:s4+s21], $0x80, s3, s21, $0xb8;
	[tilespmem:$0x1F480] =	vst v63  }
0x92: {  	s25 =	simm.s32 $0x80  }
0x93: {  	[tilespmem:s22], [sflag:$0x2] =	stream.indirect.gather [hbm4b:s4+s21], $0x80, s25, s21, $0xb8;
	[tilespmem:$0x1F480] =	vst v63  }
0x94: {  	_ =	swait.ge [sflag:s20], $0x4000  }
0x95: {  	[sflag:s20] =	ssyncset.done $0x0  }
0x96: {  	s1 =	simm.s32 $0x2800;
	[sflag:s20] =	ssyncadd.s32 $0xFFFFC000  }
0x97: {  	[spmem:s2] =	stream.indirect.scatter.add.f32 [tilespmem:s18], [sflag:$0x3], $0x80, s1, s21, $0xb8;
	[tilespmem:$0x1F480] =	vst v63  }
0x98: {  	_ =	swait.ge [sflag:s23], $0x4000  }
0x99: {  	[sflag:s23] =	ssyncset.done $0x0  }
0x9a: {  	s17 =	simm.s32 $0x100;
	[sflag:s23] =	ssyncadd.s32 $0xFFFFC000  }
0x9b: {  	[tilespmem:s18], [sflag:$0x1] =	stream.indirect.gather [hbm4b:s4+s21], $0x80, s17, s21, $0xb8;
	[tilespmem:$0x1F480] =	vst v63  }
0x9c: {  	_ =	swait.ge [sflag:s19], $0x4000  }
0x9d: {  	[sflag:s19] =	ssyncset.done $0x0  }
0x9e: {  	s25 =	simm.s32 $0x2880;
	[sflag:s19] =	ssyncadd.s32 $0xFFFFC000  }
0x9f: {  	[spmem:s2] =	stream.indirect.scatter.add.f32 [tilespmem:s22], [sflag:$0x3], $0x80, s25, s21, $0xb8;
	[tilespmem:$0x1F480] =	vst v63  }
0xa0: {  	_ =	swait.ge [sflag:s23], $0x4000  }
0xa1: {  	s31 =	simm.s32 $0xFFFFEE00;
	s1 =	simm.s32 $0xFFFFBC00;
	[sflag:s23] =	ssyncset.done $0x0  }
.LBB2_6:
0xa2: {  	s0 =	sadd.s32 $0x1380, s31  }
0xa3: {  	[sflag:s23] =	ssyncadd.s32 $0xFFFFC000;
	s17 =	smov.u32 s1;
	s25 =	sadd.s32 $0x400, s1  }
0xa4: {  	[tilespmem:s22], [sflag:$0x2] =	stream.indirect.gather [hbm4b:s4+s21], $0x80, s0, s21, $0xb8;
	[tilespmem:$0x1F480] =	vst v63  }
0xa5: {  	p1 =	sne.s32 s1, $0xFFFFFC00;
	_ =	swait.ge [sflag:s20], $0x4000  }
0xa6: {  	[sflag:s20] =	ssyncset.done $0x0  }
0xa7: {  	s0 =	sadd.s32 $0x3B00, s31;
	[sflag:s20] =	ssyncadd.s32 $0xFFFFC000  }
0xa8: {  	[spmem:s2] =	stream.indirect.scatter.add.f32 [tilespmem:s18], [sflag:$0x3], $0x80, s0, s21, $0xb8;
	[tilespmem:$0x1F480] =	vst v63  }
0xa9: {  	_ =	swait.ge [sflag:s23], $0x4000  }
0xaa: {  	[sflag:s23] =	ssyncset.done $0x0  }
0xab: {  	s0 =	sadd.s32 $0x1400, s31;
	[sflag:s23] =	ssyncadd.s32 $0xFFFFC000  }
0xac: {  	[tilespmem:s18], [sflag:$0x1] =	stream.indirect.gather [hbm4b:s4+s21], $0x80, s0, s21, $0xb8;
	[tilespmem:$0x1F480] =	vst v63  }
0xad: {  	_ =	swait.ge [sflag:s19], $0x4000  }
.Ltmp2:
0xae: {  	[sflag:s19] =	ssyncset.done $0x0;
	(pc) =	sbr.rel @p1 .LBB2_6-.Ltmp2, $4  }
0xaf: {  	s0 =	sadd.s32 $0x3B80, s31;
	[sflag:s19] =	ssyncadd.s32 $0xFFFFC000  }
0xb0: {  	[spmem:s2] =	stream.indirect.scatter.add.f32 [tilespmem:s22], [sflag:$0x3], $0x80, s0, s21, $0xb8;
	[tilespmem:$0x1F480] =	vst v63  }
0xb1: {  	_ =	swait.ge [sflag:s23], $0x4000  }
0xb2: {  	s1 =	smov.u32 s25;
	s31 =	sshra.s32 s17, $0x2;
	[sflag:s23] =	ssyncset.done $0x0  }
0xb3: {  	s0 =	sadd.s32 $0x1380, s31;
	[sflag:s23] =	ssyncadd.s32 $0xFFFFC000  }
0xb4: {  	[tilespmem:s22], [sflag:$0x2] =	stream.indirect.gather [hbm4b:s4+s21], $0x80, s0, s21, $0xb8;
	[tilespmem:$0x1F480] =	vst v63  }
0xb5: {  	_ =	swait.ge [sflag:s20], $0x4000  }
0xb6: {  	[sflag:s20] =	ssyncset.done $0x0  }
0xb7: {  	s1 =	sadd.s32 $0x3B00, s31;
	[sflag:s20] =	ssyncadd.s32 $0xFFFFC000  }
0xb8: {  	[spmem:s2] =	stream.indirect.scatter.add.f32 [tilespmem:s18], [sflag:$0x3], $0x80, s1, s21, $0xb8;
	[tilespmem:$0x1F480] =	vst v63  }
0xb9: {  	_ =	swait.ge [sflag:s23], $0x4000  }
0xba: {  	[sflag:s23] =	ssyncset.done $0x0  }
0xbb: {  	s17 =	sadd.s32 $0x1400, s31;
	[sflag:s23] =	ssyncadd.s32 $0xFFFFC000  }
0xbc: {  	[tilespmem:s18], [sflag:$0x1] =	stream.indirect.gather [hbm4b:s4+s21], $0x80, s17, s21, $0xb8;
	[tilespmem:$0x1F480] =	vst v63  }
0xbd: {  	_ =	swait.ge [sflag:s19], $0x4000  }
0xbe: {  	[sflag:s19] =	ssyncset.done $0x0  }
0xbf: {  	s25 =	sadd.s32 $0x3B80, s31;
	[sflag:s19] =	ssyncadd.s32 $0xFFFFC000  }
0xc0: {  	[spmem:s2] =	stream.indirect.scatter.add.f32 [tilespmem:s22], [sflag:$0x3], $0x80, s25, s21, $0xb8;
	[tilespmem:$0x1F480] =	vst v63  }
0xc1: {  	_ =	swait.ge [sflag:s23], $0x4000  }
0xc2: {  	[sflag:s23] =	ssyncset.done $0x0  }
0xc3: {  	[sflag:s23] =	ssyncadd.s32 $0xFFFFC000  }
0xc4: {  	[tilespmem:s22], [sflag:$0x2] =	stream.indirect.gather [hbm4b:s4+s21], $0x80, s24, s21, $0xb8;
	[tilespmem:$0x1F480] =	vst v63  }
0xc5: {  	_ =	swait.ge [sflag:s20], $0x4000  }
0xc6: {  	[sflag:s20] =	ssyncset.done $0x0  }
0xc7: {  	[sflag:s20] =	ssyncadd.s32 $0xFFFFC000  }
0xc8: {  	[spmem:s2] =	stream.indirect.scatter.add.f32 [tilespmem:s18], [sflag:$0x3], $0x80, s28, s21, $0xb8;
	[tilespmem:$0x1F480] =	vst v63  }
0xc9: {  	_ =	swait.ge [sflag:s23], $0x4000  }
0xca: {  	[sflag:s23] =	ssyncset.done $0x0  }
0xcb: {  	[sflag:s23] =	ssyncadd.s32 $0xFFFFC000  }
0xcc: {  	_ =	swait.ge [sflag:s19], $0x4000  }
0xcd: {  	[sflag:s19] =	ssyncset.done $0x0  }
0xce: {  	[sflag:s19] =	ssyncadd.s32 $0xFFFFC000  }
0xcf: {  	[spmem:s2] =	stream.indirect.scatter.add.f32 [tilespmem:s22], [sflag:$0x3], $0x80, s29, s21, $0xb8;
	[tilespmem:$0x1F480] =	vst v63  }
0xd0: {  	_ =	swait.ge [sflag:s23], $0x4000  }
0xd1: {  	s31 =	stileid.u32;
	[sflag:s23] =	ssyncset.done $0x0  }
0xd2: {  	s0 =	sshll.u32 s31, $0x6;
	[sflag:s23] =	ssyncadd.s32 $0xFFFFC000  }
0xd3: {  	s0 =	sor.u32 $0x1C03, s0;
	s1 =	sshrl.u32 s7, $0x3;
	[bflag:$0x0] =	sbarrier.arrive $0xFFFF  }
0xd4: {  	[hbm:s14], [sflag:s0] =	dma.local [spmem:s1], $0x2700  }
0xd5: {  	_ =	swait.ge [sflag:s23], $0x2700  }
0xd6: {  	s30 =	sadd.s32 $0x1, s30;
	[sflag:s23] =	ssyncset.done $0x0  }
0xd7: {  	p1 =	sne.s32 s30, s16;
	s1 =	sshrl.u32 @!p0 s12, $0x3;
	[sflag:s23] =	ssyncadd.s32 $0xFFFFD900  }
0xd8: {  	[hbm:s15], [sflag:s0] =	dma.local @!p0 [spmem:s1], $0x100  }
.Ltmp3:
0xd9: {  	_ = 	snop;
	(pc) =	sbr.rel @p1 .LBB2_1-.Ltmp3, $4  }
0xda: {  	s0 =	simm.s32 @!p0 $0x3  }
0xdb: {  	_ =	swait.ge @!p0 [sflag:s0], $0x100  }
0xdc: {  	[sflag:s0] =	ssyncset.done @!p0 $0x0  }
0xdd: {  	[sflag:s0] =	ssyncadd.s32 @!p0 $0xFFFFFF00  }
0xde: {  	_ =	sfence.sel $0x180000  }
0xdf: {  	[bflag:$0x0] =	sbarrier.arrive $0xFFFF  }
0xe0: {  	_ =	strace $0x90000047  }
0xe1: {  	s0 =	stileid.u32;
	[bflag:$0x2] =	sbarrier.arrive $0xFFFF  }
0xe2: {  	p0 =	sne.s32 s0, $0x0;
	s0 =	rddreg [dreg:$0x3]  }
0xe3: {  	s0 =	sadd.s32 @!p0 $0x100000, s0  }
0xe4: {  	[sflag:s0] =	ssyncadd.tile.s32 @!p0 $0x1;
	_ =	shalt  }
.Lfunc_end2:
_tile_overlayer_lowered:
.L_overlay_start_2:
0xe5: {  	(tag) =	ssettag $0x2  }
0xe6: {  	s0 =	rddreg [dreg:$0x0];
	s2 =	stileid.u32  }
0xe7: {  	s1 =	rddreg [dreg:$0x1];
	p0 =	sne.s32 s2, $0x0  }
0xe8: {  	s3 =	rddreg [dreg:$0x2];
	[bflag:$0x3] =	sbarrier.arrive $0xFFFF;
	s2 =	simm.s32 @!p0 $0x1C03  }
0xe9: {  	[timem:s3], [sflag:s2] =	dma.local @!p0 [hbm:s0], s1  }
0xea: {  	s0 =	simm.s32 @!p0 $0x3  }
0xeb: {  	_ =	swait.ge @!p0 [sflag:s0], s1  }
0xec: {  	s1 =	ssub.s32 @!p0 $0x0, s1;
	[sflag:s0] =	ssyncset.done @!p0 $0x0  }
0xed: {  	[sflag:s0] =	ssyncadd.s32 @!p0 s1  }
0xee: {  	[bflag:$0x3] =	sbarrier.arrive $0xFFFF  }
0xef: {  	_ =	shalt  }

</sc_bundles>
